<compile_context>
chip_gen: v7x
topology: tpu7x:2x2x1
jax: 0.10.2.dev20260603
libtpu: 0.0.44.dev20260713+nightly
codegen_flags: <defaults>
</compile_context>

<pallas_src>
import functools

import jax
import jax.numpy as jnp
from jax import lax
from jax.experimental import pallas as pl
from jax.experimental.pallas import tpu as pltpu
from jax.experimental.pallas import tpu_sc as plsc

EMB_DIM = 128
NC, NS = 2, 16
NW = NC * NS
G = 128
K = 2
C = K * G
NB = 3
D = 2


@functools.cache
def _gather_call(batch):
    per_w = batch // NW
    n_chunks = per_w // C
    assert per_w % C == 0 and n_chunks > 2 * NB

    mesh = plsc.VectorSubcoreMesh(
        core_axis_name="c", subcore_axis_name="s",
        num_cores=NC, num_subcores=NS,
    )

    @functools.partial(
        pl.kernel,
        out_type=jax.ShapeDtypeStruct((batch, EMB_DIM), jnp.float32),
        mesh=mesh,
        scratch_types=(
            [pltpu.VMEM((per_w,), jnp.int32)]
            + [pltpu.VMEM((C, EMB_DIM), jnp.float32) for _ in range(NB)]
            + [pltpu.SemaphoreType.DMA] * (2 * NB)
        ),
    )
    def k(table_hbm, idx_hbm, out_hbm, idx_v, *rest):
        rows = rest[:NB]
        gsem = rest[NB:2 * NB]
        wsem = rest[2 * NB:]
        wid = lax.axis_index("s") * NC + lax.axis_index("c")
        wbase = wid * per_w

        pltpu.sync_copy(idx_hbm.at[pl.ds(wbase, per_w)], idx_v)

        def fire_gathers(c, b):
            for j in range(K):
                pltpu.async_copy(
                    table_hbm.at[idx_v.at[pl.ds(c * C + j * G, G)]],
                    rows[b].at[pl.ds(j * G, G)], gsem[b])

        def wait_gathers(b):
            for j in range(K):
                pltpu.make_async_copy(
                    table_hbm.at[idx_v.at[pl.ds(0, G)]],
                    rows[b].at[pl.ds(j * G, G)], gsem[b]).wait()

        def fire_write(c, b):
            pltpu.async_copy(
                rows[b], out_hbm.at[pl.ds(wbase + c * C, C)], wsem[b])

        def wait_write(b):
            pltpu.make_async_copy(
                rows[b], out_hbm.at[pl.ds(wbase, C)], wsem[b]).wait()

        def step(j, b, issue, reuse_wait):
            bi = (b + D) % NB
            if issue:
                if reuse_wait:
                    wait_write(bi)
                fire_gathers(j + D, bi)
            wait_gathers(b)
            fire_write(j, b)

        for b in range(D):
            fire_gathers(b, b)

        for b in range(NB):
            step(b, b, issue=True, reuse_wait=(b >= NB - D))

        n_mid_groups = (n_chunks - D) // NB - 1
        mid_end = NB + n_mid_groups * NB

        def group_body(g, carry):
            for b in range(NB):
                step(g * NB + b, b, issue=True, reuse_wait=True)
            return carry

        lax.fori_loop(1, 1 + n_mid_groups, group_body, 0)

        for j in range(mid_end, n_chunks):
            step(j, j % NB, issue=(j + D < n_chunks), reuse_wait=True)

        for b in range(NB):
            wait_write(b)

    return k


def kernel(x, embedding_weight):
    batch = x.size
    idx = x.reshape(batch)
    out = _gather_call(batch)(embedding_weight, idx)
    return out.reshape(x.shape + (EMB_DIM,))

# --- scband reference (transcript-rebuilt; emitter-appended) ---
"""Pipeline reference for scband-base-embedding-representer-34222299415088 (READ-ONLY COPY).

The authoritative reference and input builder live on the scoring server;
editing this copy changes nothing except your own understanding.
"""

import jax, jax.numpy as jnp
import numpy as np

N_TOKENS = 1000002
EMB_DIM = 128
BATCH = 4096
HIST_LEN = 200


def setup_inputs(seed: int = 0) -> dict:
    key = jax.random.key(seed)
    k1, k2 = jax.random.split(key)
    x = jax.random.randint(k1, (BATCH, HIST_LEN), 0, N_TOKENS, dtype=jnp.int32)
    # Learned parameter: the main song embedding table (nn.Embedding.from_pretrained, freeze=False).
    # The auxiliary album/artist/pop/dur tables are not used in forward(), so they are omitted.
    embedding_weight = jax.random.normal(k2, (N_TOKENS, EMB_DIM), dtype=jnp.float32) * 0.02
    return {"x": x, "embedding_weight": embedding_weight}


def reference(x, embedding_weight):
    # forward(self, x): return self.embedding(x)
    return jnp.take(embedding_weight, x, axis=0)

if __name__ == "__main__":
    import jax
    _d = setup_inputs()
    print(jax.jit(kernel)(*tuple(_d.values())))

</pallas_src>

<mosaic_0001>
#map = affine_map<(d0, d1) -> (0, 0)>
#map1 = affine_map<(d0, d1) -> (0)>
module attributes {stable_mosaic.version = 14 : i64} {
  func.func @k(%arg0: i32, %arg1: i32, %arg2: memref<1000002x128xf32, #tpu.memory_space<hbm>>, %arg3: memref<819200xi32, #tpu.memory_space<hbm>>, %arg4: memref<819200x128xf32, #tpu.memory_space<hbm>>, %arg5: memref<25600xi32, #tpu.memory_space<vmem>>, %arg6: memref<256x128xf32, #tpu.memory_space<vmem>>, %arg7: memref<256x128xf32, #tpu.memory_space<vmem>>, %arg8: memref<256x128xf32, #tpu.memory_space<vmem>>, %arg9: memref<!tpu.dma_semaphore, #tpu.memory_space<semaphore_mem>>, %arg10: memref<!tpu.dma_semaphore, #tpu.memory_space<semaphore_mem>>, %arg11: memref<!tpu.dma_semaphore, #tpu.memory_space<semaphore_mem>>, %arg12: memref<!tpu.dma_semaphore, #tpu.memory_space<semaphore_mem>>, %arg13: memref<!tpu.dma_semaphore, #tpu.memory_space<semaphore_mem>>, %arg14: memref<!tpu.dma_semaphore, #tpu.memory_space<semaphore_mem>>) attributes {dimension_semantics = [#tpu.dimension_semantics<core_parallel>, #tpu.dimension_semantics<subcore_parallel>], iteration_bounds = array<i64: 2, 16>, scalar_prefetch = 0 : i64, scratch_operands = 10 : i64, tpu.core_type = #tpu.core_type<sc_vector_subcore>, window_params = [{transform_indices = #map}, {transform_indices = #map1}, {transform_indices = #map}]} {
    %mul3A = arith.constant 2 : i32
    %mul3A_0 = arith.muli %arg1, %mul3A : i32
    %add3A = arith.addi %mul3A_0, %arg0 : i32
    %mul3A_1 = arith.constant 25600 : i32
    %mul3A_2 = arith.muli %add3A, %mul3A_1 : i32
    "tpu.region"() ({
      %run_scoped3A = tpu.sem_alloc : memref<!tpu.dma_semaphore, #tpu.memory_space<semaphore_mem>>
      %dma_start3A_300 = tpu.memref_slice %arg3[%mul3A_2] : memref<819200xi32, #tpu.memory_space<hbm>> -> memref<25600xi32, #tpu.memory_space<hbm>>
      %dma_start3A_301 = tpu.memref_slice %arg3[%mul3A_2] : memref<819200xi32, #tpu.memory_space<hbm>> -> memref<25600xi32, #tpu.memory_space<hbm>>
      tpu.enqueue_dma source(%dma_start3A_301 : memref<25600xi32, #tpu.memory_space<hbm>>) target(%arg5 : memref<25600xi32, #tpu.memory_space<vmem>>) target_semaphore(%run_scoped3A : memref<!tpu.dma_semaphore, #tpu.memory_space<semaphore_mem>>)
      %dma_wait3A_302 = tpu.memref_slice %arg3[%mul3A_2] : memref<819200xi32, #tpu.memory_space<hbm>> -> memref<25600xi32, #tpu.memory_space<hbm>>
      %dma_wait3A_303 = tpu.memref_slice %arg3[%mul3A_2] : memref<819200xi32, #tpu.memory_space<hbm>> -> memref<25600xi32, #tpu.memory_space<hbm>>
      tpu.wait_dma2 semaphore(%run_scoped3A : memref<!tpu.dma_semaphore, #tpu.memory_space<semaphore_mem>>) src(%dma_wait3A_303 : memref<25600xi32, #tpu.memory_space<hbm>>) dst(%arg5 : memref<25600xi32, #tpu.memory_space<vmem>>)
      tpu.yield
    }) : () -> ()
    %dma_start3A = arith.constant 0 : i32
    %dma_start3A_3 = arith.constant 0 : i32
    %dma_start3A_4 = tpu.memref_slice %arg6[%dma_start3A, %dma_start3A_3] : memref<256x128xf32, #tpu.memory_space<vmem>> -> memref<128x128xf32, #tpu.memory_space<vmem>>
    %dma_start3A_5 = arith.constant 0 : i32
    %dma_start3A_6 = tpu.memref_slice %arg5[%dma_start3A_5] : memref<25600xi32, #tpu.memory_space<vmem>> -> memref<128xi32, #tpu.memory_space<vmem>>
    %dma_start3A_7 = arith.constant 0 : i32
    %dma_start3A_8 = arith.constant 0 : i32
    %dma_start3A_9 = tpu.memref_slice %arg2[%dma_start3A_7, %dma_start3A_8] : memref<1000002x128xf32, #tpu.memory_space<hbm>> -> memref<1000002x128xf32, #tpu.memory_space<hbm>>
    tpu.enqueue_indirect_dma source(%dma_start3A_9 : memref<1000002x128xf32, #tpu.memory_space<hbm>>) target(%dma_start3A_4 : memref<128x128xf32, #tpu.memory_space<vmem>>) offsets(%dma_start3A_6 : memref<128xi32, #tpu.memory_space<vmem>>) semaphore(%arg9 : memref<!tpu.dma_semaphore, #tpu.memory_space<semaphore_mem>>)
    %dma_start3A_10 = arith.constant 128 : i32
    %dma_start3A_11 = arith.constant 0 : i32
    %dma_start3A_12 = tpu.memref_slice %arg6[%dma_start3A_10, %dma_start3A_11] : memref<256x128xf32, #tpu.memory_space<vmem>> -> memref<128x128xf32, #tpu.memory_space<vmem>>
    %dma_start3A_13 = arith.constant 128 : i32
    %dma_start3A_14 = tpu.memref_slice %arg5[%dma_start3A_13] : memref<25600xi32, #tpu.memory_space<vmem>> -> memref<128xi32, #tpu.memory_space<vmem>>
    %dma_start3A_15 = arith.constant 0 : i32
    %dma_start3A_16 = arith.constant 0 : i32
    %dma_start3A_17 = tpu.memref_slice %arg2[%dma_start3A_15, %dma_start3A_16] : memref<1000002x128xf32, #tpu.memory_space<hbm>> -> memref<1000002x128xf32, #tpu.memory_space<hbm>>
    tpu.enqueue_indirect_dma source(%dma_start3A_17 : memref<1000002x128xf32, #tpu.memory_space<hbm>>) target(%dma_start3A_12 : memref<128x128xf32, #tpu.memory_space<vmem>>) offsets(%dma_start3A_14 : memref<128xi32, #tpu.memory_space<vmem>>) semaphore(%arg9 : memref<!tpu.dma_semaphore, #tpu.memory_space<semaphore_mem>>)
    %dma_start3A_18 = arith.constant 0 : i32
    %dma_start3A_19 = arith.constant 0 : i32
    %dma_start3A_20 = tpu.memref_slice %arg7[%dma_start3A_18, %dma_start3A_19] : memref<256x128xf32, #tpu.memory_space<vmem>> -> memref<128x128xf32, #tpu.memory_space<vmem>>
    %dma_start3A_21 = arith.constant 256 : i32
    %dma_start3A_22 = tpu.memref_slice %arg5[%dma_start3A_21] : memref<25600xi32, #tpu.memory_space<vmem>> -> memref<128xi32, #tpu.memory_space<vmem>>
    %dma_start3A_23 = arith.constant 0 : i32
    %dma_start3A_24 = arith.constant 0 : i32
    %dma_start3A_25 = tpu.memref_slice %arg2[%dma_start3A_23, %dma_start3A_24] : memref<1000002x128xf32, #tpu.memory_space<hbm>> -> memref<1000002x128xf32, #tpu.memory_space<hbm>>
    tpu.enqueue_indirect_dma source(%dma_start3A_25 : memref<1000002x128xf32, #tpu.memory_space<hbm>>) target(%dma_start3A_20 : memref<128x128xf32, #tpu.memory_space<vmem>>) offsets(%dma_start3A_22 : memref<128xi32, #tpu.memory_space<vmem>>) semaphore(%arg10 : memref<!tpu.dma_semaphore, #tpu.memory_space<semaphore_mem>>)
    %dma_start3A_26 = arith.constant 128 : i32
    %dma_start3A_27 = arith.constant 0 : i32
    %dma_start3A_28 = tpu.memref_slice %arg7[%dma_start3A_26, %dma_start3A_27] : memref<256x128xf32, #tpu.memory_space<vmem>> -> memref<128x128xf32, #tpu.memory_space<vmem>>
    %dma_start3A_29 = arith.constant 384 : i32
    %dma_start3A_30 = tpu.memref_slice %arg5[%dma_start3A_29] : memref<25600xi32, #tpu.memory_space<vmem>> -> memref<128xi32, #tpu.memory_space<vmem>>
    %dma_start3A_31 = arith.constant 0 : i32
    %dma_start3A_32 = arith.constant 0 : i32
    %dma_start3A_33 = tpu.memref_slice %arg2[%dma_start3A_31, %dma_start3A_32] : memref<1000002x128xf32, #tpu.memory_space<hbm>> -> memref<1000002x128xf32, #tpu.memory_space<hbm>>
    tpu.enqueue_indirect_dma source(%dma_start3A_33 : memref<1000002x128xf32, #tpu.memory_space<hbm>>) target(%dma_start3A_28 : memref<128x128xf32, #tpu.memory_space<vmem>>) offsets(%dma_start3A_30 : memref<128xi32, #tpu.memory_space<vmem>>) semaphore(%arg10 : memref<!tpu.dma_semaphore, #tpu.memory_space<semaphore_mem>>)
    %dma_start3A_34 = arith.constant 0 : i32
    %dma_start3A_35 = arith.constant 0 : i32
    %dma_start3A_36 = tpu.memref_slice %arg8[%dma_start3A_34, %dma_start3A_35] : memref<256x128xf32, #tpu.memory_space<vmem>> -> memref<128x128xf32, #tpu.memory_space<vmem>>
    %dma_start3A_37 = arith.constant 512 : i32
    %dma_start3A_38 = tpu.memref_slice %arg5[%dma_start3A_37] : memref<25600xi32, #tpu.memory_space<vmem>> -> memref<128xi32, #tpu.memory_space<vmem>>
    %dma_start3A_39 = arith.constant 0 : i32
    %dma_start3A_40 = arith.constant 0 : i32
    %dma_start3A_41 = tpu.memref_slice %arg2[%dma_start3A_39, %dma_start3A_40] : memref<1000002x128xf32, #tpu.memory_space<hbm>> -> memref<1000002x128xf32, #tpu.memory_space<hbm>>
    tpu.enqueue_indirect_dma source(%dma_start3A_41 : memref<1000002x128xf32, #tpu.memory_space<hbm>>) target(%dma_start3A_36 : memref<128x128xf32, #tpu.memory_space<vmem>>) offsets(%dma_start3A_38 : memref<128xi32, #tpu.memory_space<vmem>>) semaphore(%arg11 : memref<!tpu.dma_semaphore, #tpu.memory_space<semaphore_mem>>)
    %dma_start3A_42 = arith.constant 128 : i32
    %dma_start3A_43 = arith.constant 0 : i32
    %dma_start3A_44 = tpu.memref_slice %arg8[%dma_start3A_42, %dma_start3A_43] : memref<256x128xf32, #tpu.memory_space<vmem>> -> memref<128x128xf32, #tpu.memory_space<vmem>>
    %dma_start3A_45 = arith.constant 640 : i32
    %dma_start3A_46 = tpu.memref_slice %arg5[%dma_start3A_45] : memref<25600xi32, #tpu.memory_space<vmem>> -> memref<128xi32, #tpu.memory_space<vmem>>
    %dma_start3A_47 = arith.constant 0 : i32
    %dma_start3A_48 = arith.constant 0 : i32
    %dma_start3A_49 = tpu.memref_slice %arg2[%dma_start3A_47, %dma_start3A_48] : memref<1000002x128xf32, #tpu.memory_space<hbm>> -> memref<1000002x128xf32, #tpu.memory_space<hbm>>
    tpu.enqueue_indirect_dma source(%dma_start3A_49 : memref<1000002x128xf32, #tpu.memory_space<hbm>>) target(%dma_start3A_44 : memref<128x128xf32, #tpu.memory_space<vmem>>) offsets(%dma_start3A_46 : memref<128xi32, #tpu.memory_space<vmem>>) semaphore(%arg11 : memref<!tpu.dma_semaphore, #tpu.memory_space<semaphore_mem>>)
    %dma_wait3A = arith.constant 0 : i32
    %dma_wait3A_50 = arith.constant 0 : i32
    %dma_wait3A_51 = tpu.memref_slice %arg6[%dma_wait3A, %dma_wait3A_50] : memref<256x128xf32, #tpu.memory_space<vmem>> -> memref<128x128xf32, #tpu.memory_space<vmem>>
    %dma_wait3A_52 = arith.constant 0 : i32
    %dma_wait3A_53 = tpu.memref_slice %arg5[%dma_wait3A_52] : memref<25600xi32, #tpu.memory_space<vmem>> -> memref<128xi32, #tpu.memory_space<vmem>>
    %dma_wait3A_54 = arith.constant 0 : i32
    %dma_wait3A_55 = arith.constant 0 : i32
    %dma_wait3A_56 = tpu.memref_slice %arg2[%dma_wait3A_54, %dma_wait3A_55] : memref<1000002x128xf32, #tpu.memory_space<hbm>> -> memref<1000002x128xf32, #tpu.memory_space<hbm>>
    tpu.wait_indirect_dma semaphore(%arg9 : memref<!tpu.dma_semaphore, #tpu.memory_space<semaphore_mem>>) src(%dma_wait3A_56 : memref<1000002x128xf32, #tpu.memory_space<hbm>>) dst(%dma_wait3A_51 : memref<128x128xf32, #tpu.memory_space<vmem>>)
    %dma_wait3A_57 = arith.constant 128 : i32
    %dma_wait3A_58 = arith.constant 0 : i32
    %dma_wait3A_59 = tpu.memref_slice %arg6[%dma_wait3A_57, %dma_wait3A_58] : memref<256x128xf32, #tpu.memory_space<vmem>> -> memref<128x128xf32, #tpu.memory_space<vmem>>
    %dma_wait3A_60 = arith.constant 0 : i32
    %dma_wait3A_61 = tpu.memref_slice %arg5[%dma_wait3A_60] : memref<25600xi32, #tpu.memory_space<vmem>> -> memref<128xi32, #tpu.memory_space<vmem>>
    %dma_wait3A_62 = arith.constant 0 : i32
    %dma_wait3A_63 = arith.constant 0 : i32
    %dma_wait3A_64 = tpu.memref_slice %arg2[%dma_wait3A_62, %dma_wait3A_63] : memref<1000002x128xf32, #tpu.memory_space<hbm>> -> memref<1000002x128xf32, #tpu.memory_space<hbm>>
    tpu.wait_indirect_dma semaphore(%arg9 : memref<!tpu.dma_semaphore, #tpu.memory_space<semaphore_mem>>) src(%dma_wait3A_64 : memref<1000002x128xf32, #tpu.memory_space<hbm>>) dst(%dma_wait3A_59 : memref<128x128xf32, #tpu.memory_space<vmem>>)
    %add3A_65 = arith.constant 0 : i32
    %add3A_66 = arith.addi %mul3A_2, %add3A_65 : i32
    %dma_start3A_67 = arith.constant 0 : i32
    %dma_start3A_68 = tpu.memref_slice %arg4[%add3A_66, %dma_start3A_67] : memref<819200x128xf32, #tpu.memory_space<hbm>> -> memref<256x128xf32, #tpu.memory_space<hbm>>
    %dma_start3A_69 = arith.constant 0 : i32
    %dma_start3A_70 = tpu.memref_slice %arg4[%add3A_66, %dma_start3A_69] : memref<819200x128xf32, #tpu.memory_space<hbm>> -> memref<256x128xf32, #tpu.memory_space<hbm>>
    tpu.enqueue_dma source(%arg6 : memref<256x128xf32, #tpu.memory_space<vmem>>) target(%dma_start3A_70 : memref<256x128xf32, #tpu.memory_space<hbm>>) target_semaphore(%arg12 : memref<!tpu.dma_semaphore, #tpu.memory_space<semaphore_mem>>)
    %dma_wait3A_71 = arith.constant 0 : i32
    %dma_wait3A_72 = tpu.memref_slice %arg4[%mul3A_2, %dma_wait3A_71] : memref<819200x128xf32, #tpu.memory_space<hbm>> -> memref<256x128xf32, #tpu.memory_space<hbm>>
    %dma_wait3A_73 = arith.constant 0 : i32
    %dma_wait3A_74 = tpu.memref_slice %arg4[%mul3A_2, %dma_wait3A_73] : memref<819200x128xf32, #tpu.memory_space<hbm>> -> memref<256x128xf32, #tpu.memory_space<hbm>>
    tpu.wait_dma2 semaphore(%arg12 : memref<!tpu.dma_semaphore, #tpu.memory_space<semaphore_mem>>) src(%arg6 : memref<256x128xf32, #tpu.memory_space<vmem>>) dst(%dma_wait3A_74 : memref<256x128xf32, #tpu.memory_space<hbm>>)
    %dma_start3A_75 = arith.constant 0 : i32
    %dma_start3A_76 = arith.constant 0 : i32
    %dma_start3A_77 = tpu.memref_slice %arg6[%dma_start3A_75, %dma_start3A_76] : memref<256x128xf32, #tpu.memory_space<vmem>> -> memref<128x128xf32, #tpu.memory_space<vmem>>
    %dma_start3A_78 = arith.constant 768 : i32
    %dma_start3A_79 = tpu.memref_slice %arg5[%dma_start3A_78] : memref<25600xi32, #tpu.memory_space<vmem>> -> memref<128xi32, #tpu.memory_space<vmem>>
    %dma_start3A_80 = arith.constant 0 : i32
    %dma_start3A_81 = arith.constant 0 : i32
    %dma_start3A_82 = tpu.memref_slice %arg2[%dma_start3A_80, %dma_start3A_81] : memref<1000002x128xf32, #tpu.memory_space<hbm>> -> memref<1000002x128xf32, #tpu.memory_space<hbm>>
    tpu.enqueue_indirect_dma source(%dma_start3A_82 : memref<1000002x128xf32, #tpu.memory_space<hbm>>) target(%dma_start3A_77 : memref<128x128xf32, #tpu.memory_space<vmem>>) offsets(%dma_start3A_79 : memref<128xi32, #tpu.memory_space<vmem>>) semaphore(%arg9 : memref<!tpu.dma_semaphore, #tpu.memory_space<semaphore_mem>>)
    %dma_start3A_83 = arith.constant 128 : i32
    %dma_start3A_84 = arith.constant 0 : i32
    %dma_start3A_85 = tpu.memref_slice %arg6[%dma_start3A_83, %dma_start3A_84] : memref<256x128xf32, #tpu.memory_space<vmem>> -> memref<128x128xf32, #tpu.memory_space<vmem>>
    %dma_start3A_86 = arith.constant 896 : i32
    %dma_start3A_87 = tpu.memref_slice %arg5[%dma_start3A_86] : memref<25600xi32, #tpu.memory_space<vmem>> -> memref<128xi32, #tpu.memory_space<vmem>>
    %dma_start3A_88 = arith.constant 0 : i32
    %dma_start3A_89 = arith.constant 0 : i32
    %dma_start3A_90 = tpu.memref_slice %arg2[%dma_start3A_88, %dma_start3A_89] : memref<1000002x128xf32, #tpu.memory_space<hbm>> -> memref<1000002x128xf32, #tpu.memory_space<hbm>>
    tpu.enqueue_indirect_dma source(%dma_start3A_90 : memref<1000002x128xf32, #tpu.memory_space<hbm>>) target(%dma_start3A_85 : memref<128x128xf32, #tpu.memory_space<vmem>>) offsets(%dma_start3A_87 : memref<128xi32, #tpu.memory_space<vmem>>) semaphore(%arg9 : memref<!tpu.dma_semaphore, #tpu.memory_space<semaphore_mem>>)
    %dma_wait3A_91 = arith.constant 0 : i32
    %dma_wait3A_92 = arith.constant 0 : i32
    %dma_wait3A_93 = tpu.memref_slice %arg7[%dma_wait3A_91, %dma_wait3A_92] : memref<256x128xf32, #tpu.memory_space<vmem>> -> memref<128x128xf32, #tpu.memory_space<vmem>>
    %dma_wait3A_94 = arith.constant 0 : i32
    %dma_wait3A_95 = tpu.memref_slice %arg5[%dma_wait3A_94] : memref<25600xi32, #tpu.memory_space<vmem>> -> memref<128xi32, #tpu.memory_space<vmem>>
    %dma_wait3A_96 = arith.constant 0 : i32
    %dma_wait3A_97 = arith.constant 0 : i32
    %dma_wait3A_98 = tpu.memref_slice %arg2[%dma_wait3A_96, %dma_wait3A_97] : memref<1000002x128xf32, #tpu.memory_space<hbm>> -> memref<1000002x128xf32, #tpu.memory_space<hbm>>
    tpu.wait_indirect_dma semaphore(%arg10 : memref<!tpu.dma_semaphore, #tpu.memory_space<semaphore_mem>>) src(%dma_wait3A_98 : memref<1000002x128xf32, #tpu.memory_space<hbm>>) dst(%dma_wait3A_93 : memref<128x128xf32, #tpu.memory_space<vmem>>)
    %dma_wait3A_99 = arith.constant 128 : i32
    %dma_wait3A_100 = arith.constant 0 : i32
    %dma_wait3A_101 = tpu.memref_slice %arg7[%dma_wait3A_99, %dma_wait3A_100] : memref<256x128xf32, #tpu.memory_space<vmem>> -> memref<128x128xf32, #tpu.memory_space<vmem>>
    %dma_wait3A_102 = arith.constant 0 : i32
    %dma_wait3A_103 = tpu.memref_slice %arg5[%dma_wait3A_102] : memref<25600xi32, #tpu.memory_space<vmem>> -> memref<128xi32, #tpu.memory_space<vmem>>
    %dma_wait3A_104 = arith.constant 0 : i32
    %dma_wait3A_105 = arith.constant 0 : i32
    %dma_wait3A_106 = tpu.memref_slice %arg2[%dma_wait3A_104, %dma_wait3A_105] : memref<1000002x128xf32, #tpu.memory_space<hbm>> -> memref<1000002x128xf32, #tpu.memory_space<hbm>>
    tpu.wait_indirect_dma semaphore(%arg10 : memref<!tpu.dma_semaphore, #tpu.memory_space<semaphore_mem>>) src(%dma_wait3A_106 : memref<1000002x128xf32, #tpu.memory_space<hbm>>) dst(%dma_wait3A_101 : memref<128x128xf32, #tpu.memory_space<vmem>>)
    %add3A_107 = arith.constant 256 : i32
    %add3A_108 = arith.addi %mul3A_2, %add3A_107 : i32
    %dma_start3A_109 = arith.constant 0 : i32
    %dma_start3A_110 = tpu.memref_slice %arg4[%add3A_108, %dma_start3A_109] : memref<819200x128xf32, #tpu.memory_space<hbm>> -> memref<256x128xf32, #tpu.memory_space<hbm>>
    %dma_start3A_111 = arith.constant 0 : i32
    %dma_start3A_112 = tpu.memref_slice %arg4[%add3A_108, %dma_start3A_111] : memref<819200x128xf32, #tpu.memory_space<hbm>> -> memref<256x128xf32, #tpu.memory_space<hbm>>
    tpu.enqueue_dma source(%arg7 : memref<256x128xf32, #tpu.memory_space<vmem>>) target(%dma_start3A_112 : memref<256x128xf32, #tpu.memory_space<hbm>>) target_semaphore(%arg13 : memref<!tpu.dma_semaphore, #tpu.memory_space<semaphore_mem>>)
    %dma_wait3A_113 = arith.constant 0 : i32
    %dma_wait3A_114 = tpu.memref_slice %arg4[%mul3A_2, %dma_wait3A_113] : memref<819200x128xf32, #tpu.memory_space<hbm>> -> memref<256x128xf32, #tpu.memory_space<hbm>>
    %dma_wait3A_115 = arith.constant 0 : i32
    %dma_wait3A_116 = tpu.memref_slice %arg4[%mul3A_2, %dma_wait3A_115] : memref<819200x128xf32, #tpu.memory_space<hbm>> -> memref<256x128xf32, #tpu.memory_space<hbm>>
    tpu.wait_dma2 semaphore(%arg13 : memref<!tpu.dma_semaphore, #tpu.memory_space<semaphore_mem>>) src(%arg7 : memref<256x128xf32, #tpu.memory_space<vmem>>) dst(%dma_wait3A_116 : memref<256x128xf32, #tpu.memory_space<hbm>>)
    %dma_start3A_117 = arith.constant 0 : i32
    %dma_start3A_118 = arith.constant 0 : i32
    %dma_start3A_119 = tpu.memref_slice %arg7[%dma_start3A_117, %dma_start3A_118] : memref<256x128xf32, #tpu.memory_space<vmem>> -> memref<128x128xf32, #tpu.memory_space<vmem>>
    %dma_start3A_120 = arith.constant 1024 : i32
    %dma_start3A_121 = tpu.memref_slice %arg5[%dma_start3A_120] : memref<25600xi32, #tpu.memory_space<vmem>> -> memref<128xi32, #tpu.memory_space<vmem>>
    %dma_start3A_122 = arith.constant 0 : i32
    %dma_start3A_123 = arith.constant 0 : i32
    %dma_start3A_124 = tpu.memref_slice %arg2[%dma_start3A_122, %dma_start3A_123] : memref<1000002x128xf32, #tpu.memory_space<hbm>> -> memref<1000002x128xf32, #tpu.memory_space<hbm>>
    tpu.enqueue_indirect_dma source(%dma_start3A_124 : memref<1000002x128xf32, #tpu.memory_space<hbm>>) target(%dma_start3A_119 : memref<128x128xf32, #tpu.memory_space<vmem>>) offsets(%dma_start3A_121 : memref<128xi32, #tpu.memory_space<vmem>>) semaphore(%arg10 : memref<!tpu.dma_semaphore, #tpu.memory_space<semaphore_mem>>)
    %dma_start3A_125 = arith.constant 128 : i32
    %dma_start3A_126 = arith.constant 0 : i32
    %dma_start3A_127 = tpu.memref_slice %arg7[%dma_start3A_125, %dma_start3A_126] : memref<256x128xf32, #tpu.memory_space<vmem>> -> memref<128x128xf32, #tpu.memory_space<vmem>>
    %dma_start3A_128 = arith.constant 1152 : i32
    %dma_start3A_129 = tpu.memref_slice %arg5[%dma_start3A_128] : memref<25600xi32, #tpu.memory_space<vmem>> -> memref<128xi32, #tpu.memory_space<vmem>>
    %dma_start3A_130 = arith.constant 0 : i32
    %dma_start3A_131 = arith.constant 0 : i32
    %dma_start3A_132 = tpu.memref_slice %arg2[%dma_start3A_130, %dma_start3A_131] : memref<1000002x128xf32, #tpu.memory_space<hbm>> -> memref<1000002x128xf32, #tpu.memory_space<hbm>>
    tpu.enqueue_indirect_dma source(%dma_start3A_132 : memref<1000002x128xf32, #tpu.memory_space<hbm>>) target(%dma_start3A_127 : memref<128x128xf32, #tpu.memory_space<vmem>>) offsets(%dma_start3A_129 : memref<128xi32, #tpu.memory_space<vmem>>) semaphore(%arg10 : memref<!tpu.dma_semaphore, #tpu.memory_space<semaphore_mem>>)
    %dma_wait3A_133 = arith.constant 0 : i32
    %dma_wait3A_134 = arith.constant 0 : i32
    %dma_wait3A_135 = tpu.memref_slice %arg8[%dma_wait3A_133, %dma_wait3A_134] : memref<256x128xf32, #tpu.memory_space<vmem>> -> memref<128x128xf32, #tpu.memory_space<vmem>>
    %dma_wait3A_136 = arith.constant 0 : i32
    %dma_wait3A_137 = tpu.memref_slice %arg5[%dma_wait3A_136] : memref<25600xi32, #tpu.memory_space<vmem>> -> memref<128xi32, #tpu.memory_space<vmem>>
    %dma_wait3A_138 = arith.constant 0 : i32
    %dma_wait3A_139 = arith.constant 0 : i32
    %dma_wait3A_140 = tpu.memref_slice %arg2[%dma_wait3A_138, %dma_wait3A_139] : memref<1000002x128xf32, #tpu.memory_space<hbm>> -> memref<1000002x128xf32, #tpu.memory_space<hbm>>
    tpu.wait_indirect_dma semaphore(%arg11 : memref<!tpu.dma_semaphore, #tpu.memory_space<semaphore_mem>>) src(%dma_wait3A_140 : memref<1000002x128xf32, #tpu.memory_space<hbm>>) dst(%dma_wait3A_135 : memref<128x128xf32, #tpu.memory_space<vmem>>)
    %dma_wait3A_141 = arith.constant 128 : i32
    %dma_wait3A_142 = arith.constant 0 : i32
    %dma_wait3A_143 = tpu.memref_slice %arg8[%dma_wait3A_141, %dma_wait3A_142] : memref<256x128xf32, #tpu.memory_space<vmem>> -> memref<128x128xf32, #tpu.memory_space<vmem>>
    %dma_wait3A_144 = arith.constant 0 : i32
    %dma_wait3A_145 = tpu.memref_slice %arg5[%dma_wait3A_144] : memref<25600xi32, #tpu.memory_space<vmem>> -> memref<128xi32, #tpu.memory_space<vmem>>
    %dma_wait3A_146 = arith.constant 0 : i32
    %dma_wait3A_147 = arith.constant 0 : i32
    %dma_wait3A_148 = tpu.memref_slice %arg2[%dma_wait3A_146, %dma_wait3A_147] : memref<1000002x128xf32, #tpu.memory_space<hbm>> -> memref<1000002x128xf32, #tpu.memory_space<hbm>>
    tpu.wait_indirect_dma semaphore(%arg11 : memref<!tpu.dma_semaphore, #tpu.memory_space<semaphore_mem>>) src(%dma_wait3A_148 : memref<1000002x128xf32, #tpu.memory_space<hbm>>) dst(%dma_wait3A_143 : memref<128x128xf32, #tpu.memory_space<vmem>>)
    %add3A_149 = arith.constant 512 : i32
    %add3A_150 = arith.addi %mul3A_2, %add3A_149 : i32
    %dma_start3A_151 = arith.constant 0 : i32
    %dma_start3A_152 = tpu.memref_slice %arg4[%add3A_150, %dma_start3A_151] : memref<819200x128xf32, #tpu.memory_space<hbm>> -> memref<256x128xf32, #tpu.memory_space<hbm>>
    %dma_start3A_153 = arith.constant 0 : i32
    %dma_start3A_154 = tpu.memref_slice %arg4[%add3A_150, %dma_start3A_153] : memref<819200x128xf32, #tpu.memory_space<hbm>> -> memref<256x128xf32, #tpu.memory_space<hbm>>
    tpu.enqueue_dma source(%arg8 : memref<256x128xf32, #tpu.memory_space<vmem>>) target(%dma_start3A_154 : memref<256x128xf32, #tpu.memory_space<hbm>>) target_semaphore(%arg14 : memref<!tpu.dma_semaphore, #tpu.memory_space<semaphore_mem>>)
    %scan3A = arith.constant 0 : i32
    %scan3A_155 = arith.constant 1 : i32
    %scan3A_156 = arith.constant 31 : i32
    %scan3A_157 = arith.addi %scan3A_155, %scan3A_156 : i32
    %scan3A_158 = arith.constant 1 : i32
    scf.for %scan3A_300 = %scan3A_155 to %scan3A_157 step %scan3A_158  : i32 {
      %mul3A_301 = arith.constant 3 : i32
      %mul3A_302 = arith.muli %scan3A_300, %mul3A_301 : i32
      %add3A_303 = arith.constant 0 : i32
      %add3A_304 = arith.addi %mul3A_302, %add3A_303 : i32
      %dma_wait3A_305 = arith.constant 0 : i32
      %dma_wait3A_306 = tpu.memref_slice %arg4[%mul3A_2, %dma_wait3A_305] : memref<819200x128xf32, #tpu.memory_space<hbm>> -> memref<256x128xf32, #tpu.memory_space<hbm>>
      %dma_wait3A_307 = arith.constant 0 : i32
      %dma_wait3A_308 = tpu.memref_slice %arg4[%mul3A_2, %dma_wait3A_307] : memref<819200x128xf32, #tpu.memory_space<hbm>> -> memref<256x128xf32, #tpu.memory_space<hbm>>
      tpu.wait_dma2 semaphore(%arg14 : memref<!tpu.dma_semaphore, #tpu.memory_space<semaphore_mem>>) src(%arg8 : memref<256x128xf32, #tpu.memory_space<vmem>>) dst(%dma_wait3A_308 : memref<256x128xf32, #tpu.memory_space<hbm>>)
      %add3A_309 = arith.constant 2 : i32
      %add3A_310 = arith.addi %add3A_304, %add3A_309 : i32
      %mul3A_311 = arith.constant 256 : i32
      %mul3A_312 = arith.muli %add3A_310, %mul3A_311 : i32
      %add3A_313 = arith.constant 0 : i32
      %add3A_314 = arith.addi %mul3A_312, %add3A_313 : i32
      %dma_start3A_315 = arith.constant 0 : i32
      %dma_start3A_316 = arith.constant 0 : i32
      %dma_start3A_317 = tpu.memref_slice %arg8[%dma_start3A_315, %dma_start3A_316] : memref<256x128xf32, #tpu.memory_space<vmem>> -> memref<128x128xf32, #tpu.memory_space<vmem>>
      %dma_start3A_318 = tpu.memref_slice %arg5[%add3A_314] : memref<25600xi32, #tpu.memory_space<vmem>> -> memref<128xi32, #tpu.memory_space<vmem>>
      %dma_start3A_319 = arith.constant 0 : i32
      %dma_start3A_320 = arith.constant 0 : i32
      %dma_start3A_321 = tpu.memref_slice %arg2[%dma_start3A_319, %dma_start3A_320] : memref<1000002x128xf32, #tpu.memory_space<hbm>> -> memref<1000002x128xf32, #tpu.memory_space<hbm>>
      tpu.enqueue_indirect_dma source(%dma_start3A_321 : memref<1000002x128xf32, #tpu.memory_space<hbm>>) target(%dma_start3A_317 : memref<128x128xf32, #tpu.memory_space<vmem>>) offsets(%dma_start3A_318 : memref<128xi32, #tpu.memory_space<vmem>>) semaphore(%arg11 : memref<!tpu.dma_semaphore, #tpu.memory_space<semaphore_mem>>)
      %mul3A_322 = arith.constant 256 : i32
      %mul3A_323 = arith.muli %add3A_310, %mul3A_322 : i32
      %add3A_324 = arith.constant 128 : i32
      %add3A_325 = arith.addi %mul3A_323, %add3A_324 : i32
      %dma_start3A_326 = arith.constant 128 : i32
      %dma_start3A_327 = arith.constant 0 : i32
      %dma_start3A_328 = tpu.memref_slice %arg8[%dma_start3A_326, %dma_start3A_327] : memref<256x128xf32, #tpu.memory_space<vmem>> -> memref<128x128xf32, #tpu.memory_space<vmem>>
      %dma_start3A_329 = tpu.memref_slice %arg5[%add3A_325] : memref<25600xi32, #tpu.memory_space<vmem>> -> memref<128xi32, #tpu.memory_space<vmem>>
      %dma_start3A_330 = arith.constant 0 : i32
      %dma_start3A_331 = arith.constant 0 : i32
      %dma_start3A_332 = tpu.memref_slice %arg2[%dma_start3A_330, %dma_start3A_331] : memref<1000002x128xf32, #tpu.memory_space<hbm>> -> memref<1000002x128xf32, #tpu.memory_space<hbm>>
      tpu.enqueue_indirect_dma source(%dma_start3A_332 : memref<1000002x128xf32, #tpu.memory_space<hbm>>) target(%dma_start3A_328 : memref<128x128xf32, #tpu.memory_space<vmem>>) offsets(%dma_start3A_329 : memref<128xi32, #tpu.memory_space<vmem>>) semaphore(%arg11 : memref<!tpu.dma_semaphore, #tpu.memory_space<semaphore_mem>>)
      %dma_wait3A_333 = arith.constant 0 : i32
      %dma_wait3A_334 = arith.constant 0 : i32
      %dma_wait3A_335 = tpu.memref_slice %arg6[%dma_wait3A_333, %dma_wait3A_334] : memref<256x128xf32, #tpu.memory_space<vmem>> -> memref<128x128xf32, #tpu.memory_space<vmem>>
      %dma_wait3A_336 = arith.constant 0 : i32
      %dma_wait3A_337 = tpu.memref_slice %arg5[%dma_wait3A_336] : memref<25600xi32, #tpu.memory_space<vmem>> -> memref<128xi32, #tpu.memory_space<vmem>>
      %dma_wait3A_338 = arith.constant 0 : i32
      %dma_wait3A_339 = arith.constant 0 : i32
      %dma_wait3A_340 = tpu.memref_slice %arg2[%dma_wait3A_338, %dma_wait3A_339] : memref<1000002x128xf32, #tpu.memory_space<hbm>> -> memref<1000002x128xf32, #tpu.memory_space<hbm>>
      tpu.wait_indirect_dma semaphore(%arg9 : memref<!tpu.dma_semaphore, #tpu.memory_space<semaphore_mem>>) src(%dma_wait3A_340 : memref<1000002x128xf32, #tpu.memory_space<hbm>>) dst(%dma_wait3A_335 : memref<128x128xf32, #tpu.memory_space<vmem>>)
      %dma_wait3A_341 = arith.constant 128 : i32
      %dma_wait3A_342 = arith.constant 0 : i32
      %dma_wait3A_343 = tpu.memref_slice %arg6[%dma_wait3A_341, %dma_wait3A_342] : memref<256x128xf32, #tpu.memory_space<vmem>> -> memref<128x128xf32, #tpu.memory_space<vmem>>
      %dma_wait3A_344 = arith.constant 0 : i32
      %dma_wait3A_345 = tpu.memref_slice %arg5[%dma_wait3A_344] : memref<25600xi32, #tpu.memory_space<vmem>> -> memref<128xi32, #tpu.memory_space<vmem>>
      %dma_wait3A_346 = arith.constant 0 : i32
      %dma_wait3A_347 = arith.constant 0 : i32
      %dma_wait3A_348 = tpu.memref_slice %arg2[%dma_wait3A_346, %dma_wait3A_347] : memref<1000002x128xf32, #tpu.memory_space<hbm>> -> memref<1000002x128xf32, #tpu.memory_space<hbm>>
      tpu.wait_indirect_dma semaphore(%arg9 : memref<!tpu.dma_semaphore, #tpu.memory_space<semaphore_mem>>) src(%dma_wait3A_348 : memref<1000002x128xf32, #tpu.memory_space<hbm>>) dst(%dma_wait3A_343 : memref<128x128xf32, #tpu.memory_space<vmem>>)
      %mul3A_349 = arith.constant 256 : i32
      %mul3A_350 = arith.muli %add3A_304, %mul3A_349 : i32
      %add3A_351 = arith.addi %mul3A_2, %mul3A_350 : i32
      %dma_start3A_352 = arith.constant 0 : i32
      %dma_start3A_353 = tpu.memref_slice %arg4[%add3A_351, %dma_start3A_352] : memref<819200x128xf32, #tpu.memory_space<hbm>> -> memref<256x128xf32, #tpu.memory_space<hbm>>
      %dma_start3A_354 = arith.constant 0 : i32
      %dma_start3A_355 = tpu.memref_slice %arg4[%add3A_351, %dma_start3A_354] : memref<819200x128xf32, #tpu.memory_space<hbm>> -> memref<256x128xf32, #tpu.memory_space<hbm>>
      tpu.enqueue_dma source(%arg6 : memref<256x128xf32, #tpu.memory_space<vmem>>) target(%dma_start3A_355 : memref<256x128xf32, #tpu.memory_space<hbm>>) target_semaphore(%arg12 : memref<!tpu.dma_semaphore, #tpu.memory_space<semaphore_mem>>)
      %mul3A_356 = arith.constant 3 : i32
      %mul3A_357 = arith.muli %scan3A_300, %mul3A_356 : i32
      %add3A_358 = arith.constant 1 : i32
      %add3A_359 = arith.addi %mul3A_357, %add3A_358 : i32
      %dma_wait3A_360 = arith.constant 0 : i32
      %dma_wait3A_361 = tpu.memref_slice %arg4[%mul3A_2, %dma_wait3A_360] : memref<819200x128xf32, #tpu.memory_space<hbm>> -> memref<256x128xf32, #tpu.memory_space<hbm>>
      %dma_wait3A_362 = arith.constant 0 : i32
      %dma_wait3A_363 = tpu.memref_slice %arg4[%mul3A_2, %dma_wait3A_362] : memref<819200x128xf32, #tpu.memory_space<hbm>> -> memref<256x128xf32, #tpu.memory_space<hbm>>
      tpu.wait_dma2 semaphore(%arg12 : memref<!tpu.dma_semaphore, #tpu.memory_space<semaphore_mem>>) src(%arg6 : memref<256x128xf32, #tpu.memory_space<vmem>>) dst(%dma_wait3A_363 : memref<256x128xf32, #tpu.memory_space<hbm>>)
      %add3A_364 = arith.constant 2 : i32
      %add3A_365 = arith.addi %add3A_359, %add3A_364 : i32
      %mul3A_366 = arith.constant 256 : i32
      %mul3A_367 = arith.muli %add3A_365, %mul3A_366 : i32
      %add3A_368 = arith.constant 0 : i32
      %add3A_369 = arith.addi %mul3A_367, %add3A_368 : i32
      %dma_start3A_370 = arith.constant 0 : i32
      %dma_start3A_371 = arith.constant 0 : i32
      %dma_start3A_372 = tpu.memref_slice %arg6[%dma_start3A_370, %dma_start3A_371] : memref<256x128xf32, #tpu.memory_space<vmem>> -> memref<128x128xf32, #tpu.memory_space<vmem>>
      %dma_start3A_373 = tpu.memref_slice %arg5[%add3A_369] : memref<25600xi32, #tpu.memory_space<vmem>> -> memref<128xi32, #tpu.memory_space<vmem>>
      %dma_start3A_374 = arith.constant 0 : i32
      %dma_start3A_375 = arith.constant 0 : i32
      %dma_start3A_376 = tpu.memref_slice %arg2[%dma_start3A_374, %dma_start3A_375] : memref<1000002x128xf32, #tpu.memory_space<hbm>> -> memref<1000002x128xf32, #tpu.memory_space<hbm>>
      tpu.enqueue_indirect_dma source(%dma_start3A_376 : memref<1000002x128xf32, #tpu.memory_space<hbm>>) target(%dma_start3A_372 : memref<128x128xf32, #tpu.memory_space<vmem>>) offsets(%dma_start3A_373 : memref<128xi32, #tpu.memory_space<vmem>>) semaphore(%arg9 : memref<!tpu.dma_semaphore, #tpu.memory_space<semaphore_mem>>)
      %mul3A_377 = arith.constant 256 : i32
      %mul3A_378 = arith.muli %add3A_365, %mul3A_377 : i32
      %add3A_379 = arith.constant 128 : i32
      %add3A_380 = arith.addi %mul3A_378, %add3A_379 : i32
      %dma_start3A_381 = arith.constant 128 : i32
      %dma_start3A_382 = arith.constant 0 : i32
      %dma_start3A_383 = tpu.memref_slice %arg6[%dma_start3A_381, %dma_start3A_382] : memref<256x128xf32, #tpu.memory_space<vmem>> -> memref<128x128xf32, #tpu.memory_space<vmem>>
      %dma_start3A_384 = tpu.memref_slice %arg5[%add3A_380] : memref<25600xi32, #tpu.memory_space<vmem>> -> memref<128xi32, #tpu.memory_space<vmem>>
      %dma_start3A_385 = arith.constant 0 : i32
      %dma_start3A_386 = arith.constant 0 : i32
      %dma_start3A_387 = tpu.memref_slice %arg2[%dma_start3A_385, %dma_start3A_386] : memref<1000002x128xf32, #tpu.memory_space<hbm>> -> memref<1000002x128xf32, #tpu.memory_space<hbm>>
      tpu.enqueue_indirect_dma source(%dma_start3A_387 : memref<1000002x128xf32, #tpu.memory_space<hbm>>) target(%dma_start3A_383 : memref<128x128xf32, #tpu.memory_space<vmem>>) offsets(%dma_start3A_384 : memref<128xi32, #tpu.memory_space<vmem>>) semaphore(%arg9 : memref<!tpu.dma_semaphore, #tpu.memory_space<semaphore_mem>>)
      %dma_wait3A_388 = arith.constant 0 : i32
      %dma_wait3A_389 = arith.constant 0 : i32
      %dma_wait3A_390 = tpu.memref_slice %arg7[%dma_wait3A_388, %dma_wait3A_389] : memref<256x128xf32, #tpu.memory_space<vmem>> -> memref<128x128xf32, #tpu.memory_space<vmem>>
      %dma_wait3A_391 = arith.constant 0 : i32
      %dma_wait3A_392 = tpu.memref_slice %arg5[%dma_wait3A_391] : memref<25600xi32, #tpu.memory_space<vmem>> -> memref<128xi32, #tpu.memory_space<vmem>>
      %dma_wait3A_393 = arith.constant 0 : i32
      %dma_wait3A_394 = arith.constant 0 : i32
      %dma_wait3A_395 = tpu.memref_slice %arg2[%dma_wait3A_393, %dma_wait3A_394] : memref<1000002x128xf32, #tpu.memory_space<hbm>> -> memref<1000002x128xf32, #tpu.memory_space<hbm>>
      tpu.wait_indirect_dma semaphore(%arg10 : memref<!tpu.dma_semaphore, #tpu.memory_space<semaphore_mem>>) src(%dma_wait3A_395 : memref<1000002x128xf32, #tpu.memory_space<hbm>>) dst(%dma_wait3A_390 : memref<128x128xf32, #tpu.memory_space<vmem>>)
      %dma_wait3A_396 = arith.constant 128 : i32
      %dma_wait3A_397 = arith.constant 0 : i32
      %dma_wait3A_398 = tpu.memref_slice %arg7[%dma_wait3A_396, %dma_wait3A_397] : memref<256x128xf32, #tpu.memory_space<vmem>> -> memref<128x128xf32, #tpu.memory_space<vmem>>
      %dma_wait3A_399 = arith.constant 0 : i32
      %dma_wait3A_400 = tpu.memref_slice %arg5[%dma_wait3A_399] : memref<25600xi32, #tpu.memory_space<vmem>> -> memref<128xi32, #tpu.memory_space<vmem>>
      %dma_wait3A_401 = arith.constant 0 : i32
      %dma_wait3A_402 = arith.constant 0 : i32
      %dma_wait3A_403 = tpu.memref_slice %arg2[%dma_wait3A_401, %dma_wait3A_402] : memref<1000002x128xf32, #tpu.memory_space<hbm>> -> memref<1000002x128xf32, #tpu.memory_space<hbm>>
      tpu.wait_indirect_dma semaphore(%arg10 : memref<!tpu.dma_semaphore, #tpu.memory_space<semaphore_mem>>) src(%dma_wait3A_403 : memref<1000002x128xf32, #tpu.memory_space<hbm>>) dst(%dma_wait3A_398 : memref<128x128xf32, #tpu.memory_space<vmem>>)
      %mul3A_404 = arith.constant 256 : i32
      %mul3A_405 = arith.muli %add3A_359, %mul3A_404 : i32
      %add3A_406 = arith.addi %mul3A_2, %mul3A_405 : i32
      %dma_start3A_407 = arith.constant 0 : i32
      %dma_start3A_408 = tpu.memref_slice %arg4[%add3A_406, %dma_start3A_407] : memref<819200x128xf32, #tpu.memory_space<hbm>> -> memref<256x128xf32, #tpu.memory_space<hbm>>
      %dma_start3A_409 = arith.constant 0 : i32
      %dma_start3A_410 = tpu.memref_slice %arg4[%add3A_406, %dma_start3A_409] : memref<819200x128xf32, #tpu.memory_space<hbm>> -> memref<256x128xf32, #tpu.memory_space<hbm>>
      tpu.enqueue_dma source(%arg7 : memref<256x128xf32, #tpu.memory_space<vmem>>) target(%dma_start3A_410 : memref<256x128xf32, #tpu.memory_space<hbm>>) target_semaphore(%arg13 : memref<!tpu.dma_semaphore, #tpu.memory_space<semaphore_mem>>)
      %mul3A_411 = arith.constant 3 : i32
      %mul3A_412 = arith.muli %scan3A_300, %mul3A_411 : i32
      %add3A_413 = arith.constant 2 : i32
      %add3A_414 = arith.addi %mul3A_412, %add3A_413 : i32
      %dma_wait3A_415 = arith.constant 0 : i32
      %dma_wait3A_416 = tpu.memref_slice %arg4[%mul3A_2, %dma_wait3A_415] : memref<819200x128xf32, #tpu.memory_space<hbm>> -> memref<256x128xf32, #tpu.memory_space<hbm>>
      %dma_wait3A_417 = arith.constant 0 : i32
      %dma_wait3A_418 = tpu.memref_slice %arg4[%mul3A_2, %dma_wait3A_417] : memref<819200x128xf32, #tpu.memory_space<hbm>> -> memref<256x128xf32, #tpu.memory_space<hbm>>
      tpu.wait_dma2 semaphore(%arg13 : memref<!tpu.dma_semaphore, #tpu.memory_space<semaphore_mem>>) src(%arg7 : memref<256x128xf32, #tpu.memory_space<vmem>>) dst(%dma_wait3A_418 : memref<256x128xf32, #tpu.memory_space<hbm>>)
      %add3A_419 = arith.constant 2 : i32
      %add3A_420 = arith.addi %add3A_414, %add3A_419 : i32
      %mul3A_421 = arith.constant 256 : i32
      %mul3A_422 = arith.muli %add3A_420, %mul3A_421 : i32
      %add3A_423 = arith.constant 0 : i32
      %add3A_424 = arith.addi %mul3A_422, %add3A_423 : i32
      %dma_start3A_425 = arith.constant 0 : i32
      %dma_start3A_426 = arith.constant 0 : i32
      %dma_start3A_427 = tpu.memref_slice %arg7[%dma_start3A_425, %dma_start3A_426] : memref<256x128xf32, #tpu.memory_space<vmem>> -> memref<128x128xf32, #tpu.memory_space<vmem>>
      %dma_start3A_428 = tpu.memref_slice %arg5[%add3A_424] : memref<25600xi32, #tpu.memory_space<vmem>> -> memref<128xi32, #tpu.memory_space<vmem>>
      %dma_start3A_429 = arith.constant 0 : i32
      %dma_start3A_430 = arith.constant 0 : i32
      %dma_start3A_431 = tpu.memref_slice %arg2[%dma_start3A_429, %dma_start3A_430] : memref<1000002x128xf32, #tpu.memory_space<hbm>> -> memref<1000002x128xf32, #tpu.memory_space<hbm>>
      tpu.enqueue_indirect_dma source(%dma_start3A_431 : memref<1000002x128xf32, #tpu.memory_space<hbm>>) target(%dma_start3A_427 : memref<128x128xf32, #tpu.memory_space<vmem>>) offsets(%dma_start3A_428 : memref<128xi32, #tpu.memory_space<vmem>>) semaphore(%arg10 : memref<!tpu.dma_semaphore, #tpu.memory_space<semaphore_mem>>)
      %mul3A_432 = arith.constant 256 : i32
      %mul3A_433 = arith.muli %add3A_420, %mul3A_432 : i32
      %add3A_434 = arith.constant 128 : i32
      %add3A_435 = arith.addi %mul3A_433, %add3A_434 : i32
      %dma_start3A_436 = arith.constant 128 : i32
      %dma_start3A_437 = arith.constant 0 : i32
      %dma_start3A_438 = tpu.memref_slice %arg7[%dma_start3A_436, %dma_start3A_437] : memref<256x128xf32, #tpu.memory_space<vmem>> -> memref<128x128xf32, #tpu.memory_space<vmem>>
      %dma_start3A_439 = tpu.memref_slice %arg5[%add3A_435] : memref<25600xi32, #tpu.memory_space<vmem>> -> memref<128xi32, #tpu.memory_space<vmem>>
      %dma_start3A_440 = arith.constant 0 : i32
      %dma_start3A_441 = arith.constant 0 : i32
      %dma_start3A_442 = tpu.memref_slice %arg2[%dma_start3A_440, %dma_start3A_441] : memref<1000002x128xf32, #tpu.memory_space<hbm>> -> memref<1000002x128xf32, #tpu.memory_space<hbm>>
      tpu.enqueue_indirect_dma source(%dma_start3A_442 : memref<1000002x128xf32, #tpu.memory_space<hbm>>) target(%dma_start3A_438 : memref<128x128xf32, #tpu.memory_space<vmem>>) offsets(%dma_start3A_439 : memref<128xi32, #tpu.memory_space<vmem>>) semaphore(%arg10 : memref<!tpu.dma_semaphore, #tpu.memory_space<semaphore_mem>>)
      %dma_wait3A_443 = arith.constant 0 : i32
      %dma_wait3A_444 = arith.constant 0 : i32
      %dma_wait3A_445 = tpu.memref_slice %arg8[%dma_wait3A_443, %dma_wait3A_444] : memref<256x128xf32, #tpu.memory_space<vmem>> -> memref<128x128xf32, #tpu.memory_space<vmem>>
      %dma_wait3A_446 = arith.constant 0 : i32
      %dma_wait3A_447 = tpu.memref_slice %arg5[%dma_wait3A_446] : memref<25600xi32, #tpu.memory_space<vmem>> -> memref<128xi32, #tpu.memory_space<vmem>>
      %dma_wait3A_448 = arith.constant 0 : i32
      %dma_wait3A_449 = arith.constant 0 : i32
      %dma_wait3A_450 = tpu.memref_slice %arg2[%dma_wait3A_448, %dma_wait3A_449] : memref<1000002x128xf32, #tpu.memory_space<hbm>> -> memref<1000002x128xf32, #tpu.memory_space<hbm>>
      tpu.wait_indirect_dma semaphore(%arg11 : memref<!tpu.dma_semaphore, #tpu.memory_space<semaphore_mem>>) src(%dma_wait3A_450 : memref<1000002x128xf32, #tpu.memory_space<hbm>>) dst(%dma_wait3A_445 : memref<128x128xf32, #tpu.memory_space<vmem>>)
      %dma_wait3A_451 = arith.constant 128 : i32
      %dma_wait3A_452 = arith.constant 0 : i32
      %dma_wait3A_453 = tpu.memref_slice %arg8[%dma_wait3A_451, %dma_wait3A_452] : memref<256x128xf32, #tpu.memory_space<vmem>> -> memref<128x128xf32, #tpu.memory_space<vmem>>
      %dma_wait3A_454 = arith.constant 0 : i32
      %dma_wait3A_455 = tpu.memref_slice %arg5[%dma_wait3A_454] : memref<25600xi32, #tpu.memory_space<vmem>> -> memref<128xi32, #tpu.memory_space<vmem>>
      %dma_wait3A_456 = arith.constant 0 : i32
      %dma_wait3A_457 = arith.constant 0 : i32
      %dma_wait3A_458 = tpu.memref_slice %arg2[%dma_wait3A_456, %dma_wait3A_457] : memref<1000002x128xf32, #tpu.memory_space<hbm>> -> memref<1000002x128xf32, #tpu.memory_space<hbm>>
      tpu.wait_indirect_dma semaphore(%arg11 : memref<!tpu.dma_semaphore, #tpu.memory_space<semaphore_mem>>) src(%dma_wait3A_458 : memref<1000002x128xf32, #tpu.memory_space<hbm>>) dst(%dma_wait3A_453 : memref<128x128xf32, #tpu.memory_space<vmem>>)
      %mul3A_459 = arith.constant 256 : i32
      %mul3A_460 = arith.muli %add3A_414, %mul3A_459 : i32
      %add3A_461 = arith.addi %mul3A_2, %mul3A_460 : i32
      %dma_start3A_462 = arith.constant 0 : i32
      %dma_start3A_463 = tpu.memref_slice %arg4[%add3A_461, %dma_start3A_462] : memref<819200x128xf32, #tpu.memory_space<hbm>> -> memref<256x128xf32, #tpu.memory_space<hbm>>
      %dma_start3A_464 = arith.constant 0 : i32
      %dma_start3A_465 = tpu.memref_slice %arg4[%add3A_461, %dma_start3A_464] : memref<819200x128xf32, #tpu.memory_space<hbm>> -> memref<256x128xf32, #tpu.memory_space<hbm>>
      tpu.enqueue_dma source(%arg8 : memref<256x128xf32, #tpu.memory_space<vmem>>) target(%dma_start3A_465 : memref<256x128xf32, #tpu.memory_space<hbm>>) target_semaphore(%arg14 : memref<!tpu.dma_semaphore, #tpu.memory_space<semaphore_mem>>)
    }
    %scan3A_159 = arith.constant 31 : i32
    %dma_wait3A_160 = arith.constant 0 : i32
    %dma_wait3A_161 = tpu.memref_slice %arg4[%mul3A_2, %dma_wait3A_160] : memref<819200x128xf32, #tpu.memory_space<hbm>> -> memref<256x128xf32, #tpu.memory_space<hbm>>
    %dma_wait3A_162 = arith.constant 0 : i32
    %dma_wait3A_163 = tpu.memref_slice %arg4[%mul3A_2, %dma_wait3A_162] : memref<819200x128xf32, #tpu.memory_space<hbm>> -> memref<256x128xf32, #tpu.memory_space<hbm>>
    tpu.wait_dma2 semaphore(%arg14 : memref<!tpu.dma_semaphore, #tpu.memory_space<semaphore_mem>>) src(%arg8 : memref<256x128xf32, #tpu.memory_space<vmem>>) dst(%dma_wait3A_163 : memref<256x128xf32, #tpu.memory_space<hbm>>)
    %dma_start3A_164 = arith.constant 0 : i32
    %dma_start3A_165 = arith.constant 0 : i32
    %dma_start3A_166 = tpu.memref_slice %arg8[%dma_start3A_164, %dma_start3A_165] : memref<256x128xf32, #tpu.memory_space<vmem>> -> memref<128x128xf32, #tpu.memory_space<vmem>>
    %dma_start3A_167 = arith.constant 25088 : i32
    %dma_start3A_168 = tpu.memref_slice %arg5[%dma_start3A_167] : memref<25600xi32, #tpu.memory_space<vmem>> -> memref<128xi32, #tpu.memory_space<vmem>>
    %dma_start3A_169 = arith.constant 0 : i32
    %dma_start3A_170 = arith.constant 0 : i32
    %dma_start3A_171 = tpu.memref_slice %arg2[%dma_start3A_169, %dma_start3A_170] : memref<1000002x128xf32, #tpu.memory_space<hbm>> -> memref<1000002x128xf32, #tpu.memory_space<hbm>>
    tpu.enqueue_indirect_dma source(%dma_start3A_171 : memref<1000002x128xf32, #tpu.memory_space<hbm>>) target(%dma_start3A_166 : memref<128x128xf32, #tpu.memory_space<vmem>>) offsets(%dma_start3A_168 : memref<128xi32, #tpu.memory_space<vmem>>) semaphore(%arg11 : memref<!tpu.dma_semaphore, #tpu.memory_space<semaphore_mem>>)
    %dma_start3A_172 = arith.constant 128 : i32
    %dma_start3A_173 = arith.constant 0 : i32
    %dma_start3A_174 = tpu.memref_slice %arg8[%dma_start3A_172, %dma_start3A_173] : memref<256x128xf32, #tpu.memory_space<vmem>> -> memref<128x128xf32, #tpu.memory_space<vmem>>
    %dma_start3A_175 = arith.constant 25216 : i32
    %dma_start3A_176 = tpu.memref_slice %arg5[%dma_start3A_175] : memref<25600xi32, #tpu.memory_space<vmem>> -> memref<128xi32, #tpu.memory_space<vmem>>
    %dma_start3A_177 = arith.constant 0 : i32
    %dma_start3A_178 = arith.constant 0 : i32
    %dma_start3A_179 = tpu.memref_slice %arg2[%dma_start3A_177, %dma_start3A_178] : memref<1000002x128xf32, #tpu.memory_space<hbm>> -> memref<1000002x128xf32, #tpu.memory_space<hbm>>
    tpu.enqueue_indirect_dma source(%dma_start3A_179 : memref<1000002x128xf32, #tpu.memory_space<hbm>>) target(%dma_start3A_174 : memref<128x128xf32, #tpu.memory_space<vmem>>) offsets(%dma_start3A_176 : memref<128xi32, #tpu.memory_space<vmem>>) semaphore(%arg11 : memref<!tpu.dma_semaphore, #tpu.memory_space<semaphore_mem>>)
    %dma_wait3A_180 = arith.constant 0 : i32
    %dma_wait3A_181 = arith.constant 0 : i32
    %dma_wait3A_182 = tpu.memref_slice %arg6[%dma_wait3A_180, %dma_wait3A_181] : memref<256x128xf32, #tpu.memory_space<vmem>> -> memref<128x128xf32, #tpu.memory_space<vmem>>
    %dma_wait3A_183 = arith.constant 0 : i32
    %dma_wait3A_184 = tpu.memref_slice %arg5[%dma_wait3A_183] : memref<25600xi32, #tpu.memory_space<vmem>> -> memref<128xi32, #tpu.memory_space<vmem>>
    %dma_wait3A_185 = arith.constant 0 : i32
    %dma_wait3A_186 = arith.constant 0 : i32
    %dma_wait3A_187 = tpu.memref_slice %arg2[%dma_wait3A_185, %dma_wait3A_186] : memref<1000002x128xf32, #tpu.memory_space<hbm>> -> memref<1000002x128xf32, #tpu.memory_space<hbm>>
    tpu.wait_indirect_dma semaphore(%arg9 : memref<!tpu.dma_semaphore, #tpu.memory_space<semaphore_mem>>) src(%dma_wait3A_187 : memref<1000002x128xf32, #tpu.memory_space<hbm>>) dst(%dma_wait3A_182 : memref<128x128xf32, #tpu.memory_space<vmem>>)
    %dma_wait3A_188 = arith.constant 128 : i32
    %dma_wait3A_189 = arith.constant 0 : i32
    %dma_wait3A_190 = tpu.memref_slice %arg6[%dma_wait3A_188, %dma_wait3A_189] : memref<256x128xf32, #tpu.memory_space<vmem>> -> memref<128x128xf32, #tpu.memory_space<vmem>>
    %dma_wait3A_191 = arith.constant 0 : i32
    %dma_wait3A_192 = tpu.memref_slice %arg5[%dma_wait3A_191] : memref<25600xi32, #tpu.memory_space<vmem>> -> memref<128xi32, #tpu.memory_space<vmem>>
    %dma_wait3A_193 = arith.constant 0 : i32
    %dma_wait3A_194 = arith.constant 0 : i32
    %dma_wait3A_195 = tpu.memref_slice %arg2[%dma_wait3A_193, %dma_wait3A_194] : memref<1000002x128xf32, #tpu.memory_space<hbm>> -> memref<1000002x128xf32, #tpu.memory_space<hbm>>
    tpu.wait_indirect_dma semaphore(%arg9 : memref<!tpu.dma_semaphore, #tpu.memory_space<semaphore_mem>>) src(%dma_wait3A_195 : memref<1000002x128xf32, #tpu.memory_space<hbm>>) dst(%dma_wait3A_190 : memref<128x128xf32, #tpu.memory_space<vmem>>)
    %add3A_196 = arith.constant 24576 : i32
    %add3A_197 = arith.addi %mul3A_2, %add3A_196 : i32
    %dma_start3A_198 = arith.constant 0 : i32
    %dma_start3A_199 = tpu.memref_slice %arg4[%add3A_197, %dma_start3A_198] : memref<819200x128xf32, #tpu.memory_space<hbm>> -> memref<256x128xf32, #tpu.memory_space<hbm>>
    %dma_start3A_200 = arith.constant 0 : i32
    %dma_start3A_201 = tpu.memref_slice %arg4[%add3A_197, %dma_start3A_200] : memref<819200x128xf32, #tpu.memory_space<hbm>> -> memref<256x128xf32, #tpu.memory_space<hbm>>
    tpu.enqueue_dma source(%arg6 : memref<256x128xf32, #tpu.memory_space<vmem>>) target(%dma_start3A_201 : memref<256x128xf32, #tpu.memory_space<hbm>>) target_semaphore(%arg12 : memref<!tpu.dma_semaphore, #tpu.memory_space<semaphore_mem>>)
    %dma_wait3A_202 = arith.constant 0 : i32
    %dma_wait3A_203 = tpu.memref_slice %arg4[%mul3A_2, %dma_wait3A_202] : memref<819200x128xf32, #tpu.memory_space<hbm>> -> memref<256x128xf32, #tpu.memory_space<hbm>>
    %dma_wait3A_204 = arith.constant 0 : i32
    %dma_wait3A_205 = tpu.memref_slice %arg4[%mul3A_2, %dma_wait3A_204] : memref<819200x128xf32, #tpu.memory_space<hbm>> -> memref<256x128xf32, #tpu.memory_space<hbm>>
    tpu.wait_dma2 semaphore(%arg12 : memref<!tpu.dma_semaphore, #tpu.memory_space<semaphore_mem>>) src(%arg6 : memref<256x128xf32, #tpu.memory_space<vmem>>) dst(%dma_wait3A_205 : memref<256x128xf32, #tpu.memory_space<hbm>>)
    %dma_start3A_206 = arith.constant 0 : i32
    %dma_start3A_207 = arith.constant 0 : i32
    %dma_start3A_208 = tpu.memref_slice %arg6[%dma_start3A_206, %dma_start3A_207] : memref<256x128xf32, #tpu.memory_space<vmem>> -> memref<128x128xf32, #tpu.memory_space<vmem>>
    %dma_start3A_209 = arith.constant 25344 : i32
    %dma_start3A_210 = tpu.memref_slice %arg5[%dma_start3A_209] : memref<25600xi32, #tpu.memory_space<vmem>> -> memref<128xi32, #tpu.memory_space<vmem>>
    %dma_start3A_211 = arith.constant 0 : i32
    %dma_start3A_212 = arith.constant 0 : i32
    %dma_start3A_213 = tpu.memref_slice %arg2[%dma_start3A_211, %dma_start3A_212] : memref<1000002x128xf32, #tpu.memory_space<hbm>> -> memref<1000002x128xf32, #tpu.memory_space<hbm>>
    tpu.enqueue_indirect_dma source(%dma_start3A_213 : memref<1000002x128xf32, #tpu.memory_space<hbm>>) target(%dma_start3A_208 : memref<128x128xf32, #tpu.memory_space<vmem>>) offsets(%dma_start3A_210 : memref<128xi32, #tpu.memory_space<vmem>>) semaphore(%arg9 : memref<!tpu.dma_semaphore, #tpu.memory_space<semaphore_mem>>)
    %dma_start3A_214 = arith.constant 128 : i32
    %dma_start3A_215 = arith.constant 0 : i32
    %dma_start3A_216 = tpu.memref_slice %arg6[%dma_start3A_214, %dma_start3A_215] : memref<256x128xf32, #tpu.memory_space<vmem>> -> memref<128x128xf32, #tpu.memory_space<vmem>>
    %dma_start3A_217 = arith.constant 25472 : i32
    %dma_start3A_218 = tpu.memref_slice %arg5[%dma_start3A_217] : memref<25600xi32, #tpu.memory_space<vmem>> -> memref<128xi32, #tpu.memory_space<vmem>>
    %dma_start3A_219 = arith.constant 0 : i32
    %dma_start3A_220 = arith.constant 0 : i32
    %dma_start3A_221 = tpu.memref_slice %arg2[%dma_start3A_219, %dma_start3A_220] : memref<1000002x128xf32, #tpu.memory_space<hbm>> -> memref<1000002x128xf32, #tpu.memory_space<hbm>>
    tpu.enqueue_indirect_dma source(%dma_start3A_221 : memref<1000002x128xf32, #tpu.memory_space<hbm>>) target(%dma_start3A_216 : memref<128x128xf32, #tpu.memory_space<vmem>>) offsets(%dma_start3A_218 : memref<128xi32, #tpu.memory_space<vmem>>) semaphore(%arg9 : memref<!tpu.dma_semaphore, #tpu.memory_space<semaphore_mem>>)
    %dma_wait3A_222 = arith.constant 0 : i32
    %dma_wait3A_223 = arith.constant 0 : i32
    %dma_wait3A_224 = tpu.memref_slice %arg7[%dma_wait3A_222, %dma_wait3A_223] : memref<256x128xf32, #tpu.memory_space<vmem>> -> memref<128x128xf32, #tpu.memory_space<vmem>>
    %dma_wait3A_225 = arith.constant 0 : i32
    %dma_wait3A_226 = tpu.memref_slice %arg5[%dma_wait3A_225] : memref<25600xi32, #tpu.memory_space<vmem>> -> memref<128xi32, #tpu.memory_space<vmem>>
    %dma_wait3A_227 = arith.constant 0 : i32
    %dma_wait3A_228 = arith.constant 0 : i32
    %dma_wait3A_229 = tpu.memref_slice %arg2[%dma_wait3A_227, %dma_wait3A_228] : memref<1000002x128xf32, #tpu.memory_space<hbm>> -> memref<1000002x128xf32, #tpu.memory_space<hbm>>
    tpu.wait_indirect_dma semaphore(%arg10 : memref<!tpu.dma_semaphore, #tpu.memory_space<semaphore_mem>>) src(%dma_wait3A_229 : memref<1000002x128xf32, #tpu.memory_space<hbm>>) dst(%dma_wait3A_224 : memref<128x128xf32, #tpu.memory_space<vmem>>)
    %dma_wait3A_230 = arith.constant 128 : i32
    %dma_wait3A_231 = arith.constant 0 : i32
    %dma_wait3A_232 = tpu.memref_slice %arg7[%dma_wait3A_230, %dma_wait3A_231] : memref<256x128xf32, #tpu.memory_space<vmem>> -> memref<128x128xf32, #tpu.memory_space<vmem>>
    %dma_wait3A_233 = arith.constant 0 : i32
    %dma_wait3A_234 = tpu.memref_slice %arg5[%dma_wait3A_233] : memref<25600xi32, #tpu.memory_space<vmem>> -> memref<128xi32, #tpu.memory_space<vmem>>
    %dma_wait3A_235 = arith.constant 0 : i32
    %dma_wait3A_236 = arith.constant 0 : i32
    %dma_wait3A_237 = tpu.memref_slice %arg2[%dma_wait3A_235, %dma_wait3A_236] : memref<1000002x128xf32, #tpu.memory_space<hbm>> -> memref<1000002x128xf32, #tpu.memory_space<hbm>>
    tpu.wait_indirect_dma semaphore(%arg10 : memref<!tpu.dma_semaphore, #tpu.memory_space<semaphore_mem>>) src(%dma_wait3A_237 : memref<1000002x128xf32, #tpu.memory_space<hbm>>) dst(%dma_wait3A_232 : memref<128x128xf32, #tpu.memory_space<vmem>>)
    %add3A_238 = arith.constant 24832 : i32
    %add3A_239 = arith.addi %mul3A_2, %add3A_238 : i32
    %dma_start3A_240 = arith.constant 0 : i32
    %dma_start3A_241 = tpu.memref_slice %arg4[%add3A_239, %dma_start3A_240] : memref<819200x128xf32, #tpu.memory_space<hbm>> -> memref<256x128xf32, #tpu.memory_space<hbm>>
    %dma_start3A_242 = arith.constant 0 : i32
    %dma_start3A_243 = tpu.memref_slice %arg4[%add3A_239, %dma_start3A_242] : memref<819200x128xf32, #tpu.memory_space<hbm>> -> memref<256x128xf32, #tpu.memory_space<hbm>>
    tpu.enqueue_dma source(%arg7 : memref<256x128xf32, #tpu.memory_space<vmem>>) target(%dma_start3A_243 : memref<256x128xf32, #tpu.memory_space<hbm>>) target_semaphore(%arg13 : memref<!tpu.dma_semaphore, #tpu.memory_space<semaphore_mem>>)
    %dma_wait3A_244 = arith.constant 0 : i32
    %dma_wait3A_245 = arith.constant 0 : i32
    %dma_wait3A_246 = tpu.memref_slice %arg8[%dma_wait3A_244, %dma_wait3A_245] : memref<256x128xf32, #tpu.memory_space<vmem>> -> memref<128x128xf32, #tpu.memory_space<vmem>>
    %dma_wait3A_247 = arith.constant 0 : i32
    %dma_wait3A_248 = tpu.memref_slice %arg5[%dma_wait3A_247] : memref<25600xi32, #tpu.memory_space<vmem>> -> memref<128xi32, #tpu.memory_space<vmem>>
    %dma_wait3A_249 = arith.constant 0 : i32
    %dma_wait3A_250 = arith.constant 0 : i32
    %dma_wait3A_251 = tpu.memref_slice %arg2[%dma_wait3A_249, %dma_wait3A_250] : memref<1000002x128xf32, #tpu.memory_space<hbm>> -> memref<1000002x128xf32, #tpu.memory_space<hbm>>
    tpu.wait_indirect_dma semaphore(%arg11 : memref<!tpu.dma_semaphore, #tpu.memory_space<semaphore_mem>>) src(%dma_wait3A_251 : memref<1000002x128xf32, #tpu.memory_space<hbm>>) dst(%dma_wait3A_246 : memref<128x128xf32, #tpu.memory_space<vmem>>)
    %dma_wait3A_252 = arith.constant 128 : i32
    %dma_wait3A_253 = arith.constant 0 : i32
    %dma_wait3A_254 = tpu.memref_slice %arg8[%dma_wait3A_252, %dma_wait3A_253] : memref<256x128xf32, #tpu.memory_space<vmem>> -> memref<128x128xf32, #tpu.memory_space<vmem>>
    %dma_wait3A_255 = arith.constant 0 : i32
    %dma_wait3A_256 = tpu.memref_slice %arg5[%dma_wait3A_255] : memref<25600xi32, #tpu.memory_space<vmem>> -> memref<128xi32, #tpu.memory_space<vmem>>
    %dma_wait3A_257 = arith.constant 0 : i32
    %dma_wait3A_258 = arith.constant 0 : i32
    %dma_wait3A_259 = tpu.memref_slice %arg2[%dma_wait3A_257, %dma_wait3A_258] : memref<1000002x128xf32, #tpu.memory_space<hbm>> -> memref<1000002x128xf32, #tpu.memory_space<hbm>>
    tpu.wait_indirect_dma semaphore(%arg11 : memref<!tpu.dma_semaphore, #tpu.memory_space<semaphore_mem>>) src(%dma_wait3A_259 : memref<1000002x128xf32, #tpu.memory_space<hbm>>) dst(%dma_wait3A_254 : memref<128x128xf32, #tpu.memory_space<vmem>>)
    %add3A_260 = arith.constant 25088 : i32
    %add3A_261 = arith.addi %mul3A_2, %add3A_260 : i32
    %dma_start3A_262 = arith.constant 0 : i32
    %dma_start3A_263 = tpu.memref_slice %arg4[%add3A_261, %dma_start3A_262] : memref<819200x128xf32, #tpu.memory_space<hbm>> -> memref<256x128xf32, #tpu.memory_space<hbm>>
    %dma_start3A_264 = arith.constant 0 : i32
    %dma_start3A_265 = tpu.memref_slice %arg4[%add3A_261, %dma_start3A_264] : memref<819200x128xf32, #tpu.memory_space<hbm>> -> memref<256x128xf32, #tpu.memory_space<hbm>>
    tpu.enqueue_dma source(%arg8 : memref<256x128xf32, #tpu.memory_space<vmem>>) target(%dma_start3A_265 : memref<256x128xf32, #tpu.memory_space<hbm>>) target_semaphore(%arg14 : memref<!tpu.dma_semaphore, #tpu.memory_space<semaphore_mem>>)
    %dma_wait3A_266 = arith.constant 0 : i32
    %dma_wait3A_267 = arith.constant 0 : i32
    %dma_wait3A_268 = tpu.memref_slice %arg6[%dma_wait3A_266, %dma_wait3A_267] : memref<256x128xf32, #tpu.memory_space<vmem>> -> memref<128x128xf32, #tpu.memory_space<vmem>>
    %dma_wait3A_269 = arith.constant 0 : i32
    %dma_wait3A_270 = tpu.memref_slice %arg5[%dma_wait3A_269] : memref<25600xi32, #tpu.memory_space<vmem>> -> memref<128xi32, #tpu.memory_space<vmem>>
    %dma_wait3A_271 = arith.constant 0 : i32
    %dma_wait3A_272 = arith.constant 0 : i32
    %dma_wait3A_273 = tpu.memref_slice %arg2[%dma_wait3A_271, %dma_wait3A_272] : memref<1000002x128xf32, #tpu.memory_space<hbm>> -> memref<1000002x128xf32, #tpu.memory_space<hbm>>
    tpu.wait_indirect_dma semaphore(%arg9 : memref<!tpu.dma_semaphore, #tpu.memory_space<semaphore_mem>>) src(%dma_wait3A_273 : memref<1000002x128xf32, #tpu.memory_space<hbm>>) dst(%dma_wait3A_268 : memref<128x128xf32, #tpu.memory_space<vmem>>)
    %dma_wait3A_274 = arith.constant 128 : i32
    %dma_wait3A_275 = arith.constant 0 : i32
    %dma_wait3A_276 = tpu.memref_slice %arg6[%dma_wait3A_274, %dma_wait3A_275] : memref<256x128xf32, #tpu.memory_space<vmem>> -> memref<128x128xf32, #tpu.memory_space<vmem>>
    %dma_wait3A_277 = arith.constant 0 : i32
    %dma_wait3A_278 = tpu.memref_slice %arg5[%dma_wait3A_277] : memref<25600xi32, #tpu.memory_space<vmem>> -> memref<128xi32, #tpu.memory_space<vmem>>
    %dma_wait3A_279 = arith.constant 0 : i32
    %dma_wait3A_280 = arith.constant 0 : i32
    %dma_wait3A_281 = tpu.memref_slice %arg2[%dma_wait3A_279, %dma_wait3A_280] : memref<1000002x128xf32, #tpu.memory_space<hbm>> -> memref<1000002x128xf32, #tpu.memory_space<hbm>>
    tpu.wait_indirect_dma semaphore(%arg9 : memref<!tpu.dma_semaphore, #tpu.memory_space<semaphore_mem>>) src(%dma_wait3A_281 : memref<1000002x128xf32, #tpu.memory_space<hbm>>) dst(%dma_wait3A_276 : memref<128x128xf32, #tpu.memory_space<vmem>>)
    %add3A_282 = arith.constant 25344 : i32
    %add3A_283 = arith.addi %mul3A_2, %add3A_282 : i32
    %dma_start3A_284 = arith.constant 0 : i32
    %dma_start3A_285 = tpu.memref_slice %arg4[%add3A_283, %dma_start3A_284] : memref<819200x128xf32, #tpu.memory_space<hbm>> -> memref<256x128xf32, #tpu.memory_space<hbm>>
    %dma_start3A_286 = arith.constant 0 : i32
    %dma_start3A_287 = tpu.memref_slice %arg4[%add3A_283, %dma_start3A_286] : memref<819200x128xf32, #tpu.memory_space<hbm>> -> memref<256x128xf32, #tpu.memory_space<hbm>>
    tpu.enqueue_dma source(%arg6 : memref<256x128xf32, #tpu.memory_space<vmem>>) target(%dma_start3A_287 : memref<256x128xf32, #tpu.memory_space<hbm>>) target_semaphore(%arg12 : memref<!tpu.dma_semaphore, #tpu.memory_space<semaphore_mem>>)
    %dma_wait3A_288 = arith.constant 0 : i32
    %dma_wait3A_289 = tpu.memref_slice %arg4[%mul3A_2, %dma_wait3A_288] : memref<819200x128xf32, #tpu.memory_space<hbm>> -> memref<256x128xf32, #tpu.memory_space<hbm>>
    %dma_wait3A_290 = arith.constant 0 : i32
    %dma_wait3A_291 = tpu.memref_slice %arg4[%mul3A_2, %dma_wait3A_290] : memref<819200x128xf32, #tpu.memory_space<hbm>> -> memref<256x128xf32, #tpu.memory_space<hbm>>
    tpu.wait_dma2 semaphore(%arg12 : memref<!tpu.dma_semaphore, #tpu.memory_space<semaphore_mem>>) src(%arg6 : memref<256x128xf32, #tpu.memory_space<vmem>>) dst(%dma_wait3A_291 : memref<256x128xf32, #tpu.memory_space<hbm>>)
    %dma_wait3A_292 = arith.constant 0 : i32
    %dma_wait3A_293 = tpu.memref_slice %arg4[%mul3A_2, %dma_wait3A_292] : memref<819200x128xf32, #tpu.memory_space<hbm>> -> memref<256x128xf32, #tpu.memory_space<hbm>>
    %dma_wait3A_294 = arith.constant 0 : i32
    %dma_wait3A_295 = tpu.memref_slice %arg4[%mul3A_2, %dma_wait3A_294] : memref<819200x128xf32, #tpu.memory_space<hbm>> -> memref<256x128xf32, #tpu.memory_space<hbm>>
    tpu.wait_dma2 semaphore(%arg13 : memref<!tpu.dma_semaphore, #tpu.memory_space<semaphore_mem>>) src(%arg7 : memref<256x128xf32, #tpu.memory_space<vmem>>) dst(%dma_wait3A_295 : memref<256x128xf32, #tpu.memory_space<hbm>>)
    %dma_wait3A_296 = arith.constant 0 : i32
    %dma_wait3A_297 = tpu.memref_slice %arg4[%mul3A_2, %dma_wait3A_296] : memref<819200x128xf32, #tpu.memory_space<hbm>> -> memref<256x128xf32, #tpu.memory_space<hbm>>
    %dma_wait3A_298 = arith.constant 0 : i32
    %dma_wait3A_299 = tpu.memref_slice %arg4[%mul3A_2, %dma_wait3A_298] : memref<819200x128xf32, #tpu.memory_space<hbm>> -> memref<256x128xf32, #tpu.memory_space<hbm>>
    tpu.wait_dma2 semaphore(%arg14 : memref<!tpu.dma_semaphore, #tpu.memory_space<semaphore_mem>>) src(%arg8 : memref<256x128xf32, #tpu.memory_space<vmem>>) dst(%dma_wait3A_299 : memref<256x128xf32, #tpu.memory_space<hbm>>)
    return
  }
}

</mosaic_0001>

<sc_bundles>
// kernel: kernel.3.cloned.1.call-start
scs
__scs_entry_jumppad:
0x0: {  	(pc) =	sbr.rel $0x88, $3  }
0x1: {  	(tag) =	ssettag $0x0;
	lr =	simm.s32 $0x1  }
0x2: {  	[smem:$0x3F9F] =	sst lr;
	_ =	strace $0xD0000000  }
0x3: {  	_ = 	snop  }
0x4: {  	_ = 	snop  }
0x5: {  	_ = 	snop  }
0x6: {  	_ = 	snop  }
0x7: {  	_ = 	snop  }
__scs_overlays_trampoline_lowered:
0x8: {  	[smem:$0x3FAE] =	sst s0  }
0x9: {  	[smem:$0x3FAF] =	sst s1  }
0xa: {  	[smem:$0x3FB0] =	sst s2  }
0xb: {  	[smem:$0x3FB1] =	sst s3  }
0xc: {  	[smem:$0x3FB2] =	sst s4  }
0xd: {  	[smem:$0x3FB3] =	sst s5  }
0xe: {  	[smem:$0x3FB4] =	sst s6  }
0xf: {  	[smem:$0x3FB5] =	sst s7  }
0x10: {  	[smem:$0x3FB6] =	sst s8  }
0x11: {  	[smem:$0x3FB7] =	sst s9;
	s0 =	simm.s32 @!p0 $0x0  }
0x12: {  	s1 =	sld [smem:$0x3F9D];
	s0 =	simm.s32 @p0 $0x1  }
0x13: {  	[smem:$0x3FB8] =	sst s0;
	s0 =	simm.s32 @!p1 $0x0  }
0x14: {  	s2 =	sld [smem:$0x3F9C];
	s0 =	simm.s32 @p1 $0x1  }
0x15: {  	[smem:$0x3FB9] =	sst s0;
	s0 =	simm.s32 @!p2 $0x0  }
0x16: {  	s3 =	sld [smem:$0x3FDB];
	s0 =	simm.s32 @p2 $0x1  }
0x17: {  	s4 =	simm.s32 $0x1BF5;
	[smem:$0x3FBB] =	sst s0  }
0x18: {  	s0 =	sld [smem:$0x3F9E];
	_ =	swait.ge [sflag:s4], $0x0  }
0x19: {  	s7 =	sld [smem:$0x3F9F]  }
0x1a: {  	s8 =	sadd.s32 $0xFFFFE003, lr  }
0x1b: {  	s9 =	sadd.s32 $0xFFFFFEF7, lr;
	s5 =	simm.s32 $0xFFFFFFFF;
	p2 =	slt.u32 s8, $0xFFFFF086  }
0x1c: {  	p1 =	slt.u32 s9, $0xF7A;
	s5 =	simm.s32 @!p2 $0x0  }
0x1d: {  	s5 =	simm.s32 @p1 $0x1;
	p0 =	seq.s32 s7, s2  }
0x1e: {  	s7 =	smul.u32 @!p0 $0xF7A, s2;
	p2 =	seq.s32 @!p0 s5, $0x0  }
0x1f: {  	s9 =	smul.u32 $0xF7A, s1;
	s8 =	simm.s32 @!p0 $0x1BF5;
	p2 =	por !p2, p0  }
0x20: {  	[sflag:s8] =	ssyncset.s32 @!p0 $0xFFFFF086;
	s6 =	sadd.s32 @!p0 s3, s7;
	s7 =	simm.s32 @!p0 $0x108  }
0x21: {  	s3 =	sadd.s32 s3, s9;
	s6 =	sadd.s32 @!p0 $0x88, s6;
	s7 =	simm.s32 @p2 $0x1082  }
0x22: {  	[simem:s7], [sflag:s8] =	dma.local @!p0 [hbm:s6], $0xF7A  }
0x23: {  	s9 =	sor.u32 $0xD0000000, s2;
	s6 =	simm.s32 $0x108;
	_ =	swait.ge @!p0 [sflag:s8], $0x0  }
0x24: {  	s3 =	sadd.s32 $0x88, s3;
	s6 =	simm.s32 @!p1 $0x1082;
	[sflag:s4] =	ssyncset.s32 $0xFFFFF086  }
0x25: {  	[simem:s6], [sflag:s4] =	dma.local [hbm:s3], $0xF7A  }
0x26: {  	[smem:$0x3F9F] =	sst s1;
	(tag) =	ssettag s2;
	_ =	strace s9  }
0x27: {  	s1 =	sld [smem:$0x3FAF]  }
0x28: {  	s2 =	sld [smem:$0x3FB0]  }
0x29: {  	s4 =	sld [smem:$0x3FB2]  }
0x2a: {  	p0 =	seq.s32 s5, $0x0;
	s5 =	sld [smem:$0x3FB3]  }
0x2b: {  	s6 =	sld [smem:$0x3FB4]  }
0x2c: {  	s7 =	sld [smem:$0x3FB5]  }
0x2d: {  	s3 =	simm.s32 $0x108;
	s8 =	sld [smem:$0x3FB6]  }
0x2e: {  	s3 =	simm.s32 @!p0 $0x1082;
	s9 =	sld [smem:$0x3FB7]  }
0x2f: {  	lr =	sadd.s32 s0, s3;
	s0 =	sld [smem:$0x3FAE]  }
0x30: {  	s3 =	sld [smem:$0x3FB1]  }
0x31: {  	[smem:$0x3FBA] =	sst s10  }
0x32: {  	s10 =	sld [smem:$0x3FB8];
	_ =	sdelay $0x3  }
0x33: {  	p0 =	seq.s32 s10, $0x1;
	s10 =	sld [smem:$0x3FBA];
	_ =	sdelay $0x3  }
0x34: {  	[smem:$0x3FBA] =	sst s10  }
0x35: {  	s10 =	sld [smem:$0x3FB9];
	_ =	sdelay $0x3  }
0x36: {  	p1 =	seq.s32 s10, $0x1;
	s10 =	sld [smem:$0x3FBA];
	_ =	sdelay $0x3  }
0x37: {  	[smem:$0x3FBA] =	sst s10  }
0x38: {  	s10 =	sld [smem:$0x3FBB]  }
0x39: {  	_ = 	snop;
	(pc) =	sbr.ind lr, $3  }
0x3a: {  	_ = 	snop  }
0x3b: {  	_ = 	snop  }
0x3c: {  	p2 =	seq.s32 s10, $0x1;
	s10 =	sld [smem:$0x3FBA]  }
0x3d: {  	_ =	shalt  }
0x3e: {  	_ =	shalt  }
0x3f: {  	_ =	shalt  }
0x40: {  	_ =	shalt  }
0x41: {  	_ =	shalt  }
0x42: {  	_ =	shalt  }
0x43: {  	_ =	shalt  }
0x44: {  	_ =	shalt  }
0x45: {  	_ =	shalt  }
0x46: {  	_ =	shalt  }
0x47: {  	_ =	shalt  }
0x48: {  	_ =	shalt  }
0x49: {  	_ =	shalt  }
0x4a: {  	_ =	shalt  }
0x4b: {  	_ =	shalt  }
0x4c: {  	_ =	shalt  }
0x4d: {  	_ =	shalt  }
0x4e: {  	_ =	shalt  }
0x4f: {  	_ =	shalt  }
0x50: {  	_ =	shalt  }
0x51: {  	_ =	shalt  }
0x52: {  	_ =	shalt  }
0x53: {  	_ =	shalt  }
0x54: {  	_ =	shalt  }
0x55: {  	_ =	shalt  }
0x56: {  	_ =	shalt  }
0x57: {  	_ =	shalt  }
0x58: {  	_ =	shalt  }
0x59: {  	_ =	shalt  }
0x5a: {  	_ =	shalt  }
0x5b: {  	_ =	shalt  }
0x5c: {  	_ =	shalt  }
0x5d: {  	_ =	shalt  }
0x5e: {  	_ =	shalt  }
0x5f: {  	_ =	shalt  }
0x60: {  	_ =	shalt  }
0x61: {  	_ =	shalt  }
0x62: {  	_ =	shalt  }
0x63: {  	_ =	shalt  }
0x64: {  	_ =	shalt  }
0x65: {  	_ =	shalt  }
0x66: {  	_ =	shalt  }
0x67: {  	_ =	shalt  }
0x68: {  	_ =	shalt  }
0x69: {  	_ =	shalt  }
0x6a: {  	_ =	shalt  }
0x6b: {  	_ =	shalt  }
0x6c: {  	_ =	shalt  }
0x6d: {  	_ =	shalt  }
0x6e: {  	_ =	shalt  }
0x6f: {  	_ =	shalt  }
0x70: {  	_ =	shalt  }
0x71: {  	_ =	shalt  }
0x72: {  	_ =	shalt  }
0x73: {  	_ =	shalt  }
0x74: {  	_ =	shalt  }
0x75: {  	_ =	shalt  }
0x76: {  	_ =	shalt  }
0x77: {  	_ =	shalt  }
0x78: {  	_ =	shalt  }
0x79: {  	_ =	shalt  }
0x7a: {  	_ =	shalt  }
0x7b: {  	_ =	shalt  }
0x7c: {  	_ =	shalt  }
0x7d: {  	_ =	shalt  }
0x7e: {  	_ =	shalt  }
0x7f: {  	_ =	shalt  }
0x80: {  	_ =	shalt  }
0x81: {  	_ =	shalt  }
0x82: {  	_ =	shalt  }
0x83: {  	_ =	shalt  }
0x84: {  	_ =	shalt  }
0x85: {  	_ =	shalt  }
0x86: {  	_ =	shalt  }
0x87: {  	_ =	shalt  }
.Lfunc_end0:
.L_simem_size_0:
called_computation_lowered:
.L_overlay_start_0:
0x88: {  	s2 =	sld [smem:$0x3FD9]  }
0x89: {  	s3 =	sld [smem:$0x3FFE];
	_ =	sdelay $0x1  }
0x8a: {  	s1 =	srdreg.scid  }
0x8b: {  	s0 =	sand.u32 $0x1, s1  }
0x8c: {  	s17 =	sshll.u32 s0, $0xA;
	s2 =	sadd.s32 s3, s2  }
0x8d: {  	s2 =	sadd.s32 s2, s17  }
0x8e: {  	[smem:$0x3FC6] =	sst s2  }
0x8f: {  	_ = 	snop  }
0x90: {  	s2 =	sld [smem:$0x3FC8]  }
0x91: {  	s18 =	sld [smem:$0x3FD0];
	(tm) =	ssettm $0x1  }
0x92: {  	s4 =	sld [smem:$0x3FFB];
	_ =	sdelay $0x3  }
0x93: {  	_ =	strace s4  }
0x94: {  	s4 =	sld [smem:$0x3FFC];
	_ =	sdelay $0x3  }
0x95: {  	_ =	strace s4  }
0x96: {  	s4 =	sld [smem:$0x3FFD];
	_ =	sdelay $0x3  }
0x97: {  	_ =	strace s4  }
0x98: {  	_ =	strace $0x8FFFFFFF  }
0x99: {  	s19 =	sld [smem:$0x3FDB];
	_ =	sdelay $0x1  }
0x9a: {  	s5 =	simm.s32 $_scs_section_size  }
0x9b: {  	s6 =	simm.s32 $_size__tile_overlayer_lowered;
	s7 =	simm.s32 $_tile_overlayer_lowered  }
0x9c: {  	s22 =	simm.s32 $0x1BFF;
	s21 =	sshll.u32 s7, $0x1;
	s4 =	sadd.s32 s5, s19  }
0x9d: {  	s8 =	simm.s32 $0x0;
	s20 =	sshll.u32 s6, $0x1;
	s6 =	sadd.s32 s21, s4  }
0x9e: {  	[timem:s8], [sflag:s22] =	dma.local [hbm:s6], s20  }
0x9f: {  	_ =	swait.ge [sflag:s22], s20  }
0xa0: {  	s5 =	ssub.s32 $0x0, s20;
	[sflag:s22] =	ssyncset.done $0x0  }
0xa1: {  	[sflag:s22] =	ssyncadd.s32 s5;
	_ =	sdelay $0x1  }
0xa2: {  	s23 =	simm.s32 $0x1B8B  }
0xa3: {  	_ =	swait.ge [sflag:s23], $0x1  }
0xa4: {  	[sflag:s23] =	ssyncset.done $0x0  }
0xa5: {  	s25 =	simm.s32 $0x1B8E;
	s24 =	sld [smem:$0x3FFE];
	[sflag:s23] =	ssyncadd.s32 $0xFFFFFFFF  }
0xa6: {  	s26 =	simm.s32 $execute0_lowered;
	[smem:$0x3FD2] =	sst s25  }
0xa7: {  	s6 =	sshll.u32 s26, $0x1;
	_ =	strace $0x80000046;
	[dreg:$0x1] =	wrdreg $0xFFFFFFFF  }
0xa8: {  	s28 =	simm.s32 $_size_execute0_lowered;
	s4 =	sadd.s32 s4, s6;
	[dreg:$0x0] =	wrdreg $0x0  }
0xa9: {  	s6 =	sshll.u32 s28, $0x1;
	[dreg:$0x2] =	wrdreg s4  }
0xaa: {  	[dreg:$0x3] =	wrdreg s6  }
0xab: {  	[dreg:$0x4] =	wrdreg $0xC0  }
0xac: {  	_ =	task [dreg:s8], $0x5FFFF  }
0xad: {  	[dreg:$0x1] =	wrdreg $0xFFFFFFFF  }
0xae: {  	[dreg:$0x0] =	wrdreg $0x60  }
0xaf: {  	[dreg:$0x2] =	wrdreg s2  }
0xb0: {  	[dreg:$0x3] =	wrdreg s24  }
0xb1: {  	[dreg:$0x4] =	wrdreg s18  }
0xb2: {  	[dreg:$0x5] =	wrdreg $0x9  }
0xb3: {  	_ =	task.clear_ibuf [dreg:s8], $0x6FFFF;
	_ =	strace $0x90000046  }
0xb4: {  	s29 =	simm.s32 $0x9;
	_ =	strace $0x80000048  }
0xb5: {  	_ =	swait.ge [sflag:s29], $0x1  }
0xb6: {  	[sflag:s29] =	ssyncadd.s32 $0xFFFFFFFF  }
0xb7: {  	_ =	strace $0x90000048  }
0xb8: {  	_ =	sfence  }
0xb9: {  	s30 =	sld [smem:$0x0];
	_ =	sdelay $0x2  }
0xba: {  	s31 =	sshll.u32 s1, $0xD;
	s1 =	sshrl.u32 s1, $0x2  }
0xbb: {  	s3 =	sand.u32 $0x4000, s31;
	s1 =	sadd.s32 s1, s30  }
0xbc: {  	s0 =	sor.u32 s3, s0;
	s1 =	sshll.u32 s1, $0x11  }
0xbd: {  	s0 =	sor.u32 s1, s0  }
0xbe: {  	s0 =	sadd.s32 $0x8F2B, s0  }
0xbf: {  	[sflag:s0] =	ssyncadd.remote.s32 $0x1  }
0xc0: {  	_ =	sfence.sel $0xFFFF  }
0xc1: {  	[dreg:$0x0] =	wrdreg $0xFFFFFFFF;
	(pc) =	sbr.abs _section_cstart, $3  }
0xc2: {  	[dreg:$0x1] =	wrdreg $0xFFFFFFFF  }
0xc3: {  	_ =	task.clear_ibuf [dreg:s8], $0x2FFFF;
	_ =	strace $0x9FFFFFFF  }
0xc4: {  	(tm) =	ssettm $0x7FFFFFFF  }
0xc5: {  	_ =	shalt  }
tec
execute0_lowered:
.L_overlay_start_1:
0x0: {  	(tag) =	ssettag $0x1  }
0x1: {  	s1 =	rddreg [dreg:$0x0]  }
0x2: {  	s0 =	srdreg.scid;
	s2 =	rddreg [dreg:$0x1]  }
0x3: {  	s10 =	stileid.u32;
	s9 =	rddreg [dreg:$0x2]  }
0x4: {  	s14 =	simm.s32 $0x7;
	s15 =	simm.s32 $0x80;
	s16 =	simm.s32 $0x6400  }
0x5: {  	s17 =	simm.s32 $0xA400;
	s19 =	simm.s32 $0xE400;
	s21 =	simm.s32 $0x12400  }
0x6: {  	s23 =	simm.s32 $0x16400;
	s25 =	simm.s32 $0x1A400;
	s26 =	simm.s32 $0x1  }
0x7: {  	s28 =	simm.s32 $0x4;
	s31 =	simm.s32 $0x2;
	s20 =	simm.s32 $0x3  }
0x8: {  	s0 =	sand.u32 $0x1, s0;
	s3 =	sshll.u32 s10, $0x1;
	s10 =	smul.u32 $0xC8000, s10  }
0x9: {  	s4 =	sor.u32 s0, s3;
	s6 =	ssub.s32 $0x2, s0;
	s0 =	smul.u32 $0x64000, s0  }
0xa: {  	s22 =	simm.s32 $0x6;
	s3 =	simm.s32 $0x0;
	s5 =	smul.u32 $0x6400, s4  }
0xb: {  	s18 =	simm.s32 $0x0;
	[smem:$0x7FF] =	sst s3;
	s7 =	smul.u32 $0x64000, s4  }
0xc: {  	s29 =	sshrl.u32 s6, $0x1;
	s8 =	smul.u32 $0x320000, s4;
	s11 =	sadd.s32 s10, s9  }
0xd: {  	_ =	strace $0x80000047;
	s12 =	ssub.s32 s6, s29;
	s0 =	sadd.s32 s0, s11  }
0xe: {  	s5 =	sshrl.u32 s5, $0x3;
	s30 =	sshrl.u32 s8, $0x3;
	s12 =	smax.u32 s12, $0x1  }
0xf: {  	s13 =	sadd.s32 $0x3000, s0;
	s2 =	sadd.s32 s5, s2;
	s5 =	sadd.s32 s9, s7  }
0x10: {  	s4 =	sadd.s32 $0x400, s2;
	s6 =	sadd.s32 $0x1000, s5;
	s2 =	sadd.s32 s9, s30  }
0x11: {  	s7 =	sadd.s32 $0x2000, s5;
	s8 =	sadd.s32 $0x60000, s2;
	s9 =	sadd.s32 $0x61000, s2  }
0x12: {  	s10 =	sadd.s32 $0x62000, s2;
	s11 =	sadd.s32 $0x63000, s2;
	s2 =	simm.s32 $0x5  }
.LBB2_1:
0x13: {  	[tilespmem:s3], [sflag:$0x7] =	stream.linear.gather [hbm4b:s4+s3], $0x6400, $0x38;
	[tilespmem:$0x1E400] =	vst v63  }
0x14: {  	_ =	swait.ge [sflag:s14], $0x6400  }
0x15: {  	[sflag:s14] =	ssyncset.done $0x0  }
0x16: {  	[sflag:s14] =	ssyncadd.s32 $0xFFFF9C00  }
0x17: {  	[tilespmem:s16], [sflag:$0x1] =	stream.indirect.gather [hbm4b:s1+s15], $0x80, s3, s15, $0xb8;
	[tilespmem:$0x1E400] =	vst v63  }
0x18: {  	_ = 	snop  }
0x19: {  	[tilespmem:s17], [sflag:$0x1] =	stream.indirect.gather [hbm4b:s1+s15], $0x80, s15, s15, $0xb8;
	[tilespmem:$0x1E400] =	vst v63  }
0x1a: {  	s0 =	simm.s32 $0x100  }
0x1b: {  	[tilespmem:s19], [sflag:$0x2] =	stream.indirect.gather [hbm4b:s1+s15], $0x80, s0, s15, $0xb8;
	[tilespmem:$0x1E400] =	vst v63  }
0x1c: {  	s24 =	simm.s32 $0x180  }
0x1d: {  	[tilespmem:s21], [sflag:$0x2] =	stream.indirect.gather [hbm4b:s1+s15], $0x80, s24, s15, $0xb8;
	[tilespmem:$0x1E400] =	vst v63  }
0x1e: {  	s24 =	simm.s32 $0x200  }
0x1f: {  	[tilespmem:s23], [sflag:$0x3] =	stream.indirect.gather [hbm4b:s1+s15], $0x80, s24, s15, $0xb8;
	[tilespmem:$0x1E400] =	vst v63  }
0x20: {  	s24 =	simm.s32 $0x280  }
0x21: {  	[tilespmem:s25], [sflag:$0x3] =	stream.indirect.gather [hbm4b:s1+s15], $0x80, s24, s15, $0xb8;
	[tilespmem:$0x1E400] =	vst v63  }
0x22: {  	_ =	swait.ge [sflag:s26], $0x4000  }
0x23: {  	[sflag:s26] =	ssyncset.done $0x0  }
0x24: {  	[sflag:s26] =	ssyncadd.s32 $0xFFFFC000  }
0x25: {  	_ =	swait.ge [sflag:s26], $0x4000  }
0x26: {  	[sflag:s26] =	ssyncset.done $0x0  }
0x27: {  	[sflag:s26] =	ssyncadd.s32 $0xFFFFC000  }
0x28: {  	[hbm4b:s5+s3] =	stream.linear.scatter [tilespmem:s16], [sflag:$0x4], $0x8000, $0x38;
	[tilespmem:$0x1E400] =	vst v63  }
0x29: {  	_ =	swait.ge [sflag:s28], $0x8000  }
0x2a: {  	[sflag:s28] =	ssyncset.done $0x0  }
0x2b: {  	s24 =	simm.s32 $0x300;
	[sflag:s28] =	ssyncadd.s32 $0xFFFF8000  }
0x2c: {  	[tilespmem:s16], [sflag:$0x1] =	stream.indirect.gather [hbm4b:s1+s15], $0x80, s24, s15, $0xb8;
	[tilespmem:$0x1E400] =	vst v63  }
0x2d: {  	s24 =	simm.s32 $0x380  }
0x2e: {  	[tilespmem:s17], [sflag:$0x1] =	stream.indirect.gather [hbm4b:s1+s15], $0x80, s24, s15, $0xb8;
	[tilespmem:$0x1E400] =	vst v63  }
0x2f: {  	_ =	swait.ge [sflag:s31], $0x4000  }
0x30: {  	[sflag:s31] =	ssyncset.done $0x0  }
0x31: {  	[sflag:s31] =	ssyncadd.s32 $0xFFFFC000  }
0x32: {  	_ =	swait.ge [sflag:s31], $0x4000  }
0x33: {  	[sflag:s31] =	ssyncset.done $0x0  }
0x34: {  	[sflag:s31] =	ssyncadd.s32 $0xFFFFC000  }
0x35: {  	[hbm4b:s6+s3] =	stream.linear.scatter [tilespmem:s19], [sflag:$0x5], $0x8000, $0x38;
	[tilespmem:$0x1E400] =	vst v63  }
0x36: {  	_ =	swait.ge [sflag:s2], $0x8000  }
0x37: {  	[sflag:s2] =	ssyncset.done $0x0  }
0x38: {  	s24 =	simm.s32 $0x400;
	[sflag:s2] =	ssyncadd.s32 $0xFFFF8000  }
0x39: {  	[tilespmem:s19], [sflag:$0x2] =	stream.indirect.gather [hbm4b:s1+s15], $0x80, s24, s15, $0xb8;
	[tilespmem:$0x1E400] =	vst v63  }
0x3a: {  	s24 =	simm.s32 $0x480  }
0x3b: {  	[tilespmem:s21], [sflag:$0x2] =	stream.indirect.gather [hbm4b:s1+s15], $0x80, s24, s15, $0xb8;
	[tilespmem:$0x1E400] =	vst v63  }
0x3c: {  	_ =	swait.ge [sflag:s20], $0x4000  }
0x3d: {  	[sflag:s20] =	ssyncset.done $0x0  }
0x3e: {  	[sflag:s20] =	ssyncadd.s32 $0xFFFFC000  }
0x3f: {  	_ =	swait.ge [sflag:s20], $0x4000  }
0x40: {  	[sflag:s20] =	ssyncset.done $0x0  }
0x41: {  	[sflag:s20] =	ssyncadd.s32 $0xFFFFC000  }
0x42: {  	[hbm4b:s7+s3] =	stream.linear.scatter [tilespmem:s23], [sflag:$0x6], $0x8000, $0x38;
	[tilespmem:$0x1E400] =	vst v63  }
0x43: {  	_ =	swait.ge [sflag:s22], $0x8000  }
0x44: {  	[sflag:s22] =	ssyncset.done $0x0  }
0x45: {  	s24 =	simm.s32 $0x500;
	[sflag:s22] =	ssyncadd.s32 $0xFFFF8000  }
0x46: {  	[tilespmem:s23], [sflag:$0x3] =	stream.indirect.gather [hbm4b:s1+s15], $0x80, s24, s15, $0xb8;
	[tilespmem:$0x1E400] =	vst v63  }
0x47: {  	s0 =	simm.s32 $0x580  }
0x48: {  	[tilespmem:s25], [sflag:$0x3] =	stream.indirect.gather [hbm4b:s1+s15], $0x80, s0, s15, $0xb8;
	[tilespmem:$0x1E400] =	vst v63  }
0x49: {  	_ =	swait.ge [sflag:s26], $0x4000  }
0x4a: {  	[sflag:s26] =	ssyncset.done $0x0  }
0x4b: {  	[sflag:s26] =	ssyncadd.s32 $0xFFFFC000  }
0x4c: {  	_ =	swait.ge [sflag:s26], $0x4000  }
0x4d: {  	[sflag:s26] =	ssyncset.done $0x0  }
0x4e: {  	[sflag:s26] =	ssyncadd.s32 $0xFFFFC000  }
0x4f: {  	[hbm4b:s13+s3] =	stream.linear.scatter [tilespmem:s16], [sflag:$0x4], $0x8000, $0x38;
	[tilespmem:$0x1E400] =	vst v63  }
0x50: {  	_ =	swait.ge [sflag:s28], $0x8000  }
0x51: {  	[sflag:s28] =	ssyncset.done $0x0  }
0x52: {  	s0 =	simm.s32 $0x600;
	[sflag:s28] =	ssyncadd.s32 $0xFFFF8000  }
0x53: {  	[tilespmem:s16], [sflag:$0x1] =	stream.indirect.gather [hbm4b:s1+s15], $0x80, s0, s15, $0xb8;
	[tilespmem:$0x1E400] =	vst v63  }
0x54: {  	s0 =	simm.s32 $0x680  }
0x55: {  	[tilespmem:s17], [sflag:$0x1] =	stream.indirect.gather [hbm4b:s1+s15], $0x80, s0, s15, $0xb8;
	[tilespmem:$0x1E400] =	vst v63  }
0x56: {  	_ =	swait.ge [sflag:s31], $0x4000  }
0x57: {  	[sflag:s31] =	ssyncset.done $0x0  }
0x58: {  	[sflag:s31] =	ssyncadd.s32 $0xFFFFC000  }
0x59: {  	_ =	swait.ge [sflag:s31], $0x4000  }
0x5a: {  	[sflag:s31] =	ssyncset.done $0x0  }
0x5b: {  	s0 =	sadd.s32 $0x1000, s13;
	[sflag:s31] =	ssyncadd.s32 $0xFFFFC000  }
0x5c: {  	[hbm4b:s0+s3] =	stream.linear.scatter [tilespmem:s19], [sflag:$0x5], $0x8000, $0x38;
	[tilespmem:$0x1E400] =	vst v63  }
0x5d: {  	_ =	swait.ge [sflag:s2], $0x8000  }
0x5e: {  	[sflag:s2] =	ssyncset.done $0x0  }
0x5f: {  	s0 =	simm.s32 $0x700;
	[sflag:s2] =	ssyncadd.s32 $0xFFFF8000  }
0x60: {  	[tilespmem:s19], [sflag:$0x2] =	stream.indirect.gather [hbm4b:s1+s15], $0x80, s0, s15, $0xb8;
	[tilespmem:$0x1E400] =	vst v63  }
0x61: {  	s0 =	simm.s32 $0x780  }
0x62: {  	[tilespmem:s21], [sflag:$0x2] =	stream.indirect.gather [hbm4b:s1+s15], $0x80, s0, s15, $0xb8;
	[tilespmem:$0x1E400] =	vst v63  }
0x63: {  	_ =	swait.ge [sflag:s20], $0x4000  }
0x64: {  	[sflag:s20] =	ssyncset.done $0x0  }
0x65: {  	[sflag:s20] =	ssyncadd.s32 $0xFFFFC000  }
0x66: {  	_ =	swait.ge [sflag:s20], $0x4000  }
0x67: {  	s30 =	sadd.s32 $0x2000, s13;
	[sflag:s20] =	ssyncset.done $0x0  }
0x68: {  	s29 =	sadd.s32 $0x3000, s13;
	s24 =	simm.s32 $0xC00;
	[sflag:s20] =	ssyncadd.s32 $0xFFFFC000  }
.LBB2_2:
0x69: {  	[hbm4b:s30+s3] =	stream.linear.scatter [tilespmem:s23], [sflag:$0x6], $0x8000, $0x38;
	[tilespmem:$0x1E400] =	vst v63  }
0x6a: {  	s30 =	smov.u32 s24  }
0x6b: {  	p0 =	sne.s32 s24, $0x16800;
	s24 =	sadd.s32 $0xC00, s24;
	_ =	swait.ge [sflag:s22], $0x8000  }
0x6c: {  	s30 =	sshra.s32 s30, $0x2;
	[sflag:s22] =	ssyncset.done $0x0  }
0x6d: {  	s0 =	sadd.s32 $0x500, s30;
	[sflag:s22] =	ssyncadd.s32 $0xFFFF8000  }
0x6e: {  	[tilespmem:s23], [sflag:$0x3] =	stream.indirect.gather [hbm4b:s1+s15], $0x80, s0, s15, $0xb8;
	[tilespmem:$0x1E400] =	vst v63  }
0x6f: {  	s0 =	sadd.s32 $0x580, s30  }
0x70: {  	[tilespmem:s25], [sflag:$0x3] =	stream.indirect.gather [hbm4b:s1+s15], $0x80, s0, s15, $0xb8;
	[tilespmem:$0x1E400] =	vst v63  }
0x71: {  	_ =	swait.ge [sflag:s26], $0x4000  }
0x72: {  	[sflag:s26] =	ssyncset.done $0x0  }
0x73: {  	[sflag:s26] =	ssyncadd.s32 $0xFFFFC000  }
0x74: {  	_ =	swait.ge [sflag:s26], $0x4000  }
0x75: {  	[sflag:s26] =	ssyncset.done $0x0  }
0x76: {  	[sflag:s26] =	ssyncadd.s32 $0xFFFFC000  }
0x77: {  	[hbm4b:s29+s3] =	stream.linear.scatter [tilespmem:s16], [sflag:$0x4], $0x8000, $0x38;
	[tilespmem:$0x1E400] =	vst v63  }
0x78: {  	_ =	swait.ge [sflag:s28], $0x8000  }
0x79: {  	[sflag:s28] =	ssyncset.done $0x0  }
0x7a: {  	s0 =	sadd.s32 $0x600, s30;
	[sflag:s28] =	ssyncadd.s32 $0xFFFF8000  }
0x7b: {  	[tilespmem:s16], [sflag:$0x1] =	stream.indirect.gather [hbm4b:s1+s15], $0x80, s0, s15, $0xb8;
	[tilespmem:$0x1E400] =	vst v63  }
0x7c: {  	s0 =	sadd.s32 $0x680, s30  }
0x7d: {  	[tilespmem:s17], [sflag:$0x1] =	stream.indirect.gather [hbm4b:s1+s15], $0x80, s0, s15, $0xb8;
	[tilespmem:$0x1E400] =	vst v63  }
0x7e: {  	_ =	swait.ge [sflag:s31], $0x4000  }
0x7f: {  	[sflag:s31] =	ssyncset.done $0x0  }
0x80: {  	[sflag:s31] =	ssyncadd.s32 $0xFFFFC000  }
0x81: {  	_ =	swait.ge [sflag:s31], $0x4000  }
0x82: {  	[sflag:s31] =	ssyncset.done $0x0  }
0x83: {  	s0 =	sadd.s32 $0x1000, s29;
	[sflag:s31] =	ssyncadd.s32 $0xFFFFC000  }
0x84: {  	[hbm4b:s0+s3] =	stream.linear.scatter [tilespmem:s19], [sflag:$0x5], $0x8000, $0x38;
	[tilespmem:$0x1E400] =	vst v63  }
0x85: {  	_ =	swait.ge [sflag:s2], $0x8000  }
0x86: {  	[sflag:s2] =	ssyncset.done $0x0  }
0x87: {  	s0 =	sadd.s32 $0x700, s30;
	[sflag:s2] =	ssyncadd.s32 $0xFFFF8000  }
0x88: {  	[tilespmem:s19], [sflag:$0x2] =	stream.indirect.gather [hbm4b:s1+s15], $0x80, s0, s15, $0xb8;
	[tilespmem:$0x1E400] =	vst v63  }
0x89: {  	s0 =	sadd.s32 $0x780, s30  }
0x8a: {  	[tilespmem:s21], [sflag:$0x2] =	stream.indirect.gather [hbm4b:s1+s15], $0x80, s0, s15, $0xb8;
	[tilespmem:$0x1E400] =	vst v63  }
0x8b: {  	_ =	swait.ge [sflag:s20], $0x4000  }
.Ltmp0:
0x8c: {  	[sflag:s20] =	ssyncset.done $0x0;
	(pc) =	sbr.rel @p0 .LBB2_2-.Ltmp0, $4  }
0x8d: {  	[sflag:s20] =	ssyncadd.s32 $0xFFFFC000  }
0x8e: {  	_ =	swait.ge [sflag:s20], $0x4000  }
0x8f: {  	[sflag:s20] =	ssyncset.done $0x0  }
0x90: {  	s30 =	sadd.s32 $0x2000, s29;
	s29 =	sadd.s32 $0x3000, s29;
	[sflag:s20] =	ssyncadd.s32 $0xFFFFC000  }
0x91: {  	[hbm4b:s30+s3] =	stream.linear.scatter [tilespmem:s23], [sflag:$0x6], $0x8000, $0x38;
	[tilespmem:$0x1E400] =	vst v63  }
0x92: {  	_ =	swait.ge [sflag:s22], $0x8000  }
0x93: {  	[sflag:s22] =	ssyncset.done $0x0  }
0x94: {  	s0 =	simm.s32 $0x6200;
	[sflag:s22] =	ssyncadd.s32 $0xFFFF8000  }
0x95: {  	[tilespmem:s23], [sflag:$0x3] =	stream.indirect.gather [hbm4b:s1+s15], $0x80, s0, s15, $0xb8;
	[tilespmem:$0x1E400] =	vst v63  }
0x96: {  	s24 =	simm.s32 $0x6280  }
0x97: {  	[tilespmem:s25], [sflag:$0x3] =	stream.indirect.gather [hbm4b:s1+s15], $0x80, s24, s15, $0xb8;
	[tilespmem:$0x1E400] =	vst v63  }
0x98: {  	_ =	swait.ge [sflag:s26], $0x4000  }
0x99: {  	[sflag:s26] =	ssyncset.done $0x0  }
0x9a: {  	[sflag:s26] =	ssyncadd.s32 $0xFFFFC000  }
0x9b: {  	_ =	swait.ge [sflag:s26], $0x4000  }
0x9c: {  	[sflag:s26] =	ssyncset.done $0x0  }
0x9d: {  	[sflag:s26] =	ssyncadd.s32 $0xFFFFC000  }
0x9e: {  	[hbm4b:s8+s3] =	stream.linear.scatter [tilespmem:s16], [sflag:$0x4], $0x8000, $0x38;
	[tilespmem:$0x1E400] =	vst v63  }
0x9f: {  	_ =	swait.ge [sflag:s28], $0x8000  }
0xa0: {  	[sflag:s28] =	ssyncset.done $0x0  }
0xa1: {  	s29 =	simm.s32 $0x6300;
	[sflag:s28] =	ssyncadd.s32 $0xFFFF8000  }
0xa2: {  	[tilespmem:s16], [sflag:$0x1] =	stream.indirect.gather [hbm4b:s1+s15], $0x80, s29, s15, $0xb8;
	[tilespmem:$0x1E400] =	vst v63  }
0xa3: {  	s30 =	simm.s32 $0x6380  }
0xa4: {  	[tilespmem:s17], [sflag:$0x1] =	stream.indirect.gather [hbm4b:s1+s15], $0x80, s30, s15, $0xb8;
	[tilespmem:$0x1E400] =	vst v63  }
0xa5: {  	_ =	swait.ge [sflag:s31], $0x4000  }
0xa6: {  	[sflag:s31] =	ssyncset.done $0x0  }
0xa7: {  	[sflag:s31] =	ssyncadd.s32 $0xFFFFC000  }
0xa8: {  	_ =	swait.ge [sflag:s31], $0x4000  }
0xa9: {  	[sflag:s31] =	ssyncset.done $0x0  }
0xaa: {  	[sflag:s31] =	ssyncadd.s32 $0xFFFFC000  }
0xab: {  	[hbm4b:s9+s3] =	stream.linear.scatter [tilespmem:s19], [sflag:$0x5], $0x8000, $0x38;
	[tilespmem:$0x1E400] =	vst v63  }
0xac: {  	_ =	swait.ge [sflag:s20], $0x4000  }
0xad: {  	[sflag:s20] =	ssyncset.done $0x0  }
0xae: {  	[sflag:s20] =	ssyncadd.s32 $0xFFFFC000  }
0xaf: {  	_ =	swait.ge [sflag:s20], $0x4000  }
0xb0: {  	[sflag:s20] =	ssyncset.done $0x0  }
0xb1: {  	[sflag:s20] =	ssyncadd.s32 $0xFFFFC000  }
0xb2: {  	[hbm4b:s10+s3] =	stream.linear.scatter [tilespmem:s23], [sflag:$0x6], $0x8000, $0x38;
	[tilespmem:$0x1E400] =	vst v63  }
0xb3: {  	_ =	swait.ge [sflag:s26], $0x4000  }
0xb4: {  	[sflag:s26] =	ssyncset.done $0x0  }
0xb5: {  	[sflag:s26] =	ssyncadd.s32 $0xFFFFC000  }
0xb6: {  	_ =	swait.ge [sflag:s26], $0x4000  }
0xb7: {  	[sflag:s26] =	ssyncset.done $0x0  }
0xb8: {  	[sflag:s26] =	ssyncadd.s32 $0xFFFFC000  }
0xb9: {  	[hbm4b:s11+s3] =	stream.linear.scatter [tilespmem:s16], [sflag:$0x4], $0x8000, $0x38;
	[tilespmem:$0x1E400] =	vst v63  }
0xba: {  	_ =	swait.ge [sflag:s28], $0x8000  }
0xbb: {  	[sflag:s28] =	ssyncset.done $0x0  }
0xbc: {  	s18 =	sadd.s32 $0x1, s18;
	[sflag:s28] =	ssyncadd.s32 $0xFFFF8000  }
0xbd: {  	p0 =	sne.s32 s18, s12;
	_ =	swait.ge [sflag:s2], $0x8000  }
.Ltmp1:
0xbe: {  	[sflag:s2] =	ssyncset.done $0x0;
	(pc) =	sbr.rel @p0 .LBB2_1-.Ltmp1, $4  }
0xbf: {  	[sflag:s2] =	ssyncadd.s32 $0xFFFF8000  }
0xc0: {  	_ =	swait.ge [sflag:s22], $0x8000  }
0xc1: {  	[sflag:s22] =	ssyncset.done $0x0  }
0xc2: {  	[sflag:s22] =	ssyncadd.s32 $0xFFFF8000  }
0xc3: {  	_ =	sfence.sel $0x180000  }
0xc4: {  	[bflag:$0x0] =	sbarrier.arrive $0xFFFF  }
0xc5: {  	_ =	strace $0x90000047  }
0xc6: {  	s0 =	stileid.u32;
	[bflag:$0x2] =	sbarrier.arrive $0xFFFF  }
0xc7: {  	p0 =	sne.s32 s0, $0x0;
	s0 =	rddreg [dreg:$0x3]  }
0xc8: {  	s0 =	sadd.s32 @!p0 $0x100000, s0  }
0xc9: {  	[sflag:s0] =	ssyncadd.tile.s32 @!p0 $0x1;
	_ =	shalt  }
.Lfunc_end2:
_tile_overlayer_lowered:
.L_overlay_start_2:
0xca: {  	(tag) =	ssettag $0x2  }
0xcb: {  	s0 =	rddreg [dreg:$0x0];
	s2 =	stileid.u32  }
0xcc: {  	s1 =	rddreg [dreg:$0x1];
	p0 =	sne.s32 s2, $0x0  }
0xcd: {  	s3 =	rddreg [dreg:$0x2];
	[bflag:$0x3] =	sbarrier.arrive $0xFFFF;
	s2 =	simm.s32 @!p0 $0x1C07  }
0xce: {  	[timem:s3], [sflag:s2] =	dma.local @!p0 [hbm:s0], s1  }
0xcf: {  	s0 =	simm.s32 @!p0 $0x7  }
0xd0: {  	_ =	swait.ge @!p0 [sflag:s0], s1  }
0xd1: {  	s1 =	ssub.s32 @!p0 $0x0, s1;
	[sflag:s0] =	ssyncset.done @!p0 $0x0  }
0xd2: {  	[sflag:s0] =	ssyncadd.s32 @!p0 s1  }
0xd3: {  	[bflag:$0x3] =	sbarrier.arrive $0xFFFF  }
0xd4: {  	_ =	shalt  }

</sc_bundles>
